<compile_context>
chip_gen: v7x
topology: tpu7x:2x2x1
jax: 0.10.2.dev20260603
libtpu: 0.0.44.dev20260713+nightly
codegen_flags: <defaults>
</compile_context>

<pallas_src>
import functools

import jax
import jax.numpy as jnp
import numpy as np
from jax import lax
from jax.experimental import pallas as pl
from jax.experimental.pallas import tpu as pltpu
from jax.experimental.pallas import tpu_sc as plsc

D_MODEL = 128
NUM_ACTIONS = 1000
VOCAB = NUM_ACTIONS + 1
SEQ = 201
SEQ_PAD = 208
EPS = 1e-12
SQRT_D = np.sqrt(D_MODEL)

A_TILE = 16
PID_TILE = 256

BATCH = 4096
NUM_WORKERS = 32
ROWS_PW = BATCH // NUM_WORKERS


def _pairtab_kernel(act_ref, pos_ref, w_ref, b_ref, out_ref):
    x3 = act_ref[...][:, None, :] * SQRT_D + pos_ref[...][None, :, :]
    x = x3.reshape(A_TILE * SEQ_PAD, D_MODEL)
    m = jnp.full((D_MODEL, D_MODEL), 1.0 / D_MODEL, dtype=jnp.float32)
    mean = jnp.dot(x, m, preferred_element_type=jnp.float32)
    ex2 = jnp.dot(x * x, m, preferred_element_type=jnp.float32)
    var = ex2 - mean * mean
    normed = (x - mean) * jax.lax.rsqrt(var + EPS)
    out_ref[...] = normed * w_ref[...] + b_ref[...]


def _pid_kernel(acts_ref, out_ref):
    c = jax.lax.broadcasted_iota(jnp.int32, (PID_TILE, 2 * SEQ), 1)
    s = jnp.where(c < SEQ, c, c - SEQ)
    out_ref[...] = acts_ref[...] * SEQ_PAD + s


NIDX = 8
PAIRS_PW = ROWS_PW // 2
CHUNK = 2 * SEQ


def _sc_gather_kernel(tab_hbm, pid_hbm, out_hbm, idx, rows, si, sg, sw):
    wid = lax.axis_index("s") * 2 + lax.axis_index("c")
    pr0 = wid * PAIRS_PW

    for k in range(4):
        pltpu.async_copy(pid_hbm.at[pr0 + k], idx[k], si[k])

    @pl.loop(0, PAIRS_PW, step=NIDX)
    def _(r):
        for k in range(NIDX):
            rr = r + k
            j = k % 2
            b0 = (pr0 + rr) * 2

            @pl.when(rr >= 2)
            def _():
                pltpu.make_async_copy(
                    rows[j].at[pl.ds(0, SEQ)], out_hbm.at[b0 - 4], sw[j]
                ).wait()
                pltpu.make_async_copy(
                    rows[j].at[pl.ds(SEQ, SEQ)], out_hbm.at[b0 - 3], sw[j]
                ).wait()

            pltpu.make_async_copy(pid_hbm.at[pr0 + rr], idx[k], si[k]).wait()
            pltpu.async_copy(tab_hbm.at[idx[k]], rows[j], sg[j])
            pltpu.make_async_copy(tab_hbm.at[idx[k]], rows[j], sg[j]).wait()

            kf = (k + 4) % NIDX

            @pl.when(rr + 4 < PAIRS_PW)
            def _():
                pltpu.async_copy(pid_hbm.at[pr0 + rr + 4], idx[kf], si[kf])

            pltpu.async_copy(
                rows[j].at[pl.ds(0, SEQ)], out_hbm.at[b0], sw[j]
            )
            pltpu.async_copy(
                rows[j].at[pl.ds(SEQ, SEQ)], out_hbm.at[b0 + 1], sw[j]
            )

    for j in range(2):
        rr = PAIRS_PW - 2 + j
        b0 = (pr0 + rr) * 2
        pltpu.make_async_copy(
            rows[j].at[pl.ds(0, SEQ)], out_hbm.at[b0], sw[j]
        ).wait()
        pltpu.make_async_copy(
            rows[j].at[pl.ds(SEQ, SEQ)], out_hbm.at[b0 + 1], sw[j]
        ).wait()


def _sc_gather_body(tab_hbm, pid_hbm, out_hbm, *rest):
    idx = list(rest[:NIDX])
    rows = list(rest[NIDX : NIDX + 2])
    si = list(rest[NIDX + 2 : 2 * NIDX + 2])
    sg = list(rest[2 * NIDX + 2 : 2 * NIDX + 4])
    sw = list(rest[2 * NIDX + 4 : 2 * NIDX + 6])
    _sc_gather_kernel(tab_hbm, pid_hbm, out_hbm, idx, rows, si, sg, sw)


@jax.jit
def kernel(actions, att_mask, action_table, pos_table, ln_weight, ln_bias):
    batch = actions.shape[0]
    cls_col = jnp.full((batch, 1), NUM_ACTIONS, dtype=actions.dtype)
    acts = jnp.concatenate([cls_col, actions], axis=1)
    pos_pad = jnp.pad(pos_table, ((0, SEQ_PAD - SEQ), (0, 0)))
    mask = jnp.concatenate(
        [jnp.zeros((batch, 1), dtype=att_mask.dtype), att_mask], axis=1
    )

    tab_flat = pl.pallas_call(
        _pairtab_kernel,
        grid=(pl.cdiv(VOCAB, A_TILE),),
        in_specs=[
            pl.BlockSpec((A_TILE, D_MODEL), lambda i: (i, 0)),
            pl.BlockSpec((SEQ_PAD, D_MODEL), lambda i: (0, 0)),
            pl.BlockSpec((1, D_MODEL), lambda i: (0, 0)),
            pl.BlockSpec((1, D_MODEL), lambda i: (0, 0)),
        ],
        out_specs=pl.BlockSpec((A_TILE * SEQ_PAD, D_MODEL), lambda i: (i, 0)),
        out_shape=jax.ShapeDtypeStruct((VOCAB * SEQ_PAD, D_MODEL), jnp.float32),
    )(
        action_table,
        pos_pad,
        ln_weight.reshape(1, D_MODEL),
        ln_bias.reshape(1, D_MODEL),
    )

    acts2 = acts.reshape(batch // 2, 2 * SEQ)
    pid = pl.pallas_call(
        _pid_kernel,
        grid=(batch // 2 // PID_TILE,),
        in_specs=[pl.BlockSpec((PID_TILE, 2 * SEQ), lambda i: (i, 0))],
        out_specs=pl.BlockSpec((PID_TILE, 2 * SEQ), lambda i: (i, 0)),
        out_shape=jax.ShapeDtypeStruct((batch // 2, 2 * SEQ), jnp.int32),
    )(acts2)

    mesh = plsc.VectorSubcoreMesh(core_axis_name="c", subcore_axis_name="s")
    sc_gather = functools.partial(
        pl.kernel,
        mesh=mesh,
        out_type=jax.ShapeDtypeStruct((batch, SEQ, D_MODEL), jnp.float32),
        scratch_types=(
            [pltpu.VMEM((CHUNK,), jnp.int32)] * NIDX
            + [pltpu.VMEM((CHUNK, D_MODEL), jnp.float32)] * 2
            + [pltpu.SemaphoreType.DMA] * (NIDX + 4)
        ),
    )(_sc_gather_body)
    out = sc_gather(tab_flat, pid)

    return (out, mask)

# --- scband reference (transcript-rebuilt; emitter-appended) ---
"""Pipeline reference for scband-action-processor-76398878261334 (READ-ONLY COPY).

The authoritative reference and input builder live on the scoring server;
editing this copy changes nothing except your own understanding.
"""

import jax, jax.numpy as jnp
import numpy as np

D_MODEL = 128
NUM_ACTIONS = 1000
MAX_SEQ_LENGTH = 200
EPS = 1e-12


def setup_inputs(seed: int = 0) -> dict:
    key = jax.random.key(seed)
    k1, k2, k3, k4 = jax.random.split(key, 4)
    actions = jax.random.randint(k1, (4096, 200), 0, NUM_ACTIONS).astype(jnp.int32)
    att_mask = jax.random.randint(k2, (4096, 200), 0, 2).astype(jnp.int32)
    action_table = jax.random.normal(k3, (NUM_ACTIONS + 1, D_MODEL), dtype=jnp.float32) * 0.02
    pos_table = jax.random.normal(k4, (MAX_SEQ_LENGTH + 1, D_MODEL), dtype=jnp.float32) * 0.02
    ln_weight = jnp.ones((D_MODEL,), dtype=jnp.float32)
    ln_bias = jnp.zeros((D_MODEL,), dtype=jnp.float32)
    return {
        "actions": actions,
        "att_mask": att_mask,
        "action_table": action_table,
        "pos_table": pos_table,
        "ln_weight": ln_weight,
        "ln_bias": ln_bias,
    }


def reference(actions, att_mask, action_table, pos_table, ln_weight, ln_bias):
    batch_size = actions.shape[0]
    # prepend CLS token id (= num_actions) and unmasked slot for it
    cls_col = jnp.full((batch_size, 1), NUM_ACTIONS, dtype=actions.dtype)
    acts = jnp.concatenate([cls_col, actions], axis=1)
    mask = jnp.concatenate([jnp.zeros((batch_size, 1), dtype=att_mask.dtype), att_mask], axis=1)
    # embedding lookups (gather)
    input_embeds = jnp.take(action_table, acts, axis=0)
    position_ids = jnp.arange(0, MAX_SEQ_LENGTH + 1)
    position_embeddings = jnp.take(pos_table, position_ids, axis=0)
    embeddings = input_embeds * np.sqrt(D_MODEL) + position_embeddings[None, :, :]
    # LayerNorm
    mean = jnp.mean(embeddings, axis=-1, keepdims=True)
    var = jnp.mean(jnp.square(embeddings - mean), axis=-1, keepdims=True)
    normed = (embeddings - mean) / jnp.sqrt(var + EPS)
    out = normed * ln_weight + ln_bias
    # dropout is identity in eval mode
    return (out, mask)

if __name__ == "__main__":
    import jax
    _d = setup_inputs()
    print(jax.jit(kernel)(*tuple(_d.values())))

</pallas_src>

<mosaic_0001>
#map = affine_map<(d0, d1) -> (0, 0)>
#map1 = affine_map<(d0, d1) -> (0, 0, 0)>
module attributes {stable_mosaic.version = 14 : i64} {
  func.func @_sc_gather_body(%arg0: i32, %arg1: i32, %arg2: memref<208208x128xf32, #tpu.memory_space<hbm>>, %arg3: memref<2048x402xi32, #tpu.memory_space<hbm>>, %arg4: memref<4096x201x128xf32, #tpu.memory_space<hbm>>, %arg5: memref<402xi32, #tpu.memory_space<vmem>>, %arg6: memref<402xi32, #tpu.memory_space<vmem>>, %arg7: memref<402xi32, #tpu.memory_space<vmem>>, %arg8: memref<402xi32, #tpu.memory_space<vmem>>, %arg9: memref<402xi32, #tpu.memory_space<vmem>>, %arg10: memref<402xi32, #tpu.memory_space<vmem>>, %arg11: memref<402xi32, #tpu.memory_space<vmem>>, %arg12: memref<402xi32, #tpu.memory_space<vmem>>, %arg13: memref<402x128xf32, #tpu.memory_space<vmem>>, %arg14: memref<402x128xf32, #tpu.memory_space<vmem>>, %arg15: memref<!tpu.dma_semaphore, #tpu.memory_space<semaphore_mem>>, %arg16: memref<!tpu.dma_semaphore, #tpu.memory_space<semaphore_mem>>, %arg17: memref<!tpu.dma_semaphore, #tpu.memory_space<semaphore_mem>>, %arg18: memref<!tpu.dma_semaphore, #tpu.memory_space<semaphore_mem>>, %arg19: memref<!tpu.dma_semaphore, #tpu.memory_space<semaphore_mem>>, %arg20: memref<!tpu.dma_semaphore, #tpu.memory_space<semaphore_mem>>, %arg21: memref<!tpu.dma_semaphore, #tpu.memory_space<semaphore_mem>>, %arg22: memref<!tpu.dma_semaphore, #tpu.memory_space<semaphore_mem>>, %arg23: memref<!tpu.dma_semaphore, #tpu.memory_space<semaphore_mem>>, %arg24: memref<!tpu.dma_semaphore, #tpu.memory_space<semaphore_mem>>, %arg25: memref<!tpu.dma_semaphore, #tpu.memory_space<semaphore_mem>>, %arg26: memref<!tpu.dma_semaphore, #tpu.memory_space<semaphore_mem>>) attributes {dimension_semantics = [#tpu.dimension_semantics<core_parallel>, #tpu.dimension_semantics<subcore_parallel>], iteration_bounds = array<i64: 2, 16>, scalar_prefetch = 0 : i64, scratch_operands = 22 : i64, tpu.core_type = #tpu.core_type<sc_vector_subcore>, window_params = [{transform_indices = #map}, {transform_indices = #map}, {transform_indices = #map1}]} {
    %mul3A = arith.constant 2 : i32
    %mul3A_0 = arith.muli %arg1, %mul3A : i32
    %add3A = arith.addi %mul3A_0, %arg0 : i32
    %mul3A_1 = arith.constant 64 : i32
    %mul3A_2 = arith.muli %add3A, %mul3A_1 : i32
    %add3A_3 = arith.constant 0 : i32
    %add3A_4 = arith.addi %mul3A_2, %add3A_3 : i32
    %dma_start3A = arith.constant 0 : i32
    %dma_start3A_5 = tpu.memref_slice %arg3[%add3A_4, %dma_start3A] : memref<2048x402xi32, #tpu.memory_space<hbm>> -> memref<1x402xi32, #tpu.memory_space<hbm>>
    %dma_start3A_6 = tpu.memref_squeeze %dma_start3A_5 : memref<1x402xi32, #tpu.memory_space<hbm>> -> memref<402xi32, #tpu.memory_space<hbm>>
    %dma_start3A_7 = arith.constant 0 : i32
    %dma_start3A_8 = tpu.memref_slice %arg3[%add3A_4, %dma_start3A_7] : memref<2048x402xi32, #tpu.memory_space<hbm>> -> memref<1x402xi32, #tpu.memory_space<hbm>>
    %dma_start3A_9 = tpu.memref_squeeze %dma_start3A_8 : memref<1x402xi32, #tpu.memory_space<hbm>> -> memref<402xi32, #tpu.memory_space<hbm>>
    tpu.enqueue_dma source(%dma_start3A_9 : memref<402xi32, #tpu.memory_space<hbm>>) target(%arg5 : memref<402xi32, #tpu.memory_space<vmem>>) target_semaphore(%arg15 : memref<!tpu.dma_semaphore, #tpu.memory_space<semaphore_mem>>)
    %add3A_10 = arith.constant 1 : i32
    %add3A_11 = arith.addi %mul3A_2, %add3A_10 : i32
    %dma_start3A_12 = arith.constant 0 : i32
    %dma_start3A_13 = tpu.memref_slice %arg3[%add3A_11, %dma_start3A_12] : memref<2048x402xi32, #tpu.memory_space<hbm>> -> memref<1x402xi32, #tpu.memory_space<hbm>>
    %dma_start3A_14 = tpu.memref_squeeze %dma_start3A_13 : memref<1x402xi32, #tpu.memory_space<hbm>> -> memref<402xi32, #tpu.memory_space<hbm>>
    %dma_start3A_15 = arith.constant 0 : i32
    %dma_start3A_16 = tpu.memref_slice %arg3[%add3A_11, %dma_start3A_15] : memref<2048x402xi32, #tpu.memory_space<hbm>> -> memref<1x402xi32, #tpu.memory_space<hbm>>
    %dma_start3A_17 = tpu.memref_squeeze %dma_start3A_16 : memref<1x402xi32, #tpu.memory_space<hbm>> -> memref<402xi32, #tpu.memory_space<hbm>>
    tpu.enqueue_dma source(%dma_start3A_17 : memref<402xi32, #tpu.memory_space<hbm>>) target(%arg6 : memref<402xi32, #tpu.memory_space<vmem>>) target_semaphore(%arg16 : memref<!tpu.dma_semaphore, #tpu.memory_space<semaphore_mem>>)
    %add3A_18 = arith.constant 2 : i32
    %add3A_19 = arith.addi %mul3A_2, %add3A_18 : i32
    %dma_start3A_20 = arith.constant 0 : i32
    %dma_start3A_21 = tpu.memref_slice %arg3[%add3A_19, %dma_start3A_20] : memref<2048x402xi32, #tpu.memory_space<hbm>> -> memref<1x402xi32, #tpu.memory_space<hbm>>
    %dma_start3A_22 = tpu.memref_squeeze %dma_start3A_21 : memref<1x402xi32, #tpu.memory_space<hbm>> -> memref<402xi32, #tpu.memory_space<hbm>>
    %dma_start3A_23 = arith.constant 0 : i32
    %dma_start3A_24 = tpu.memref_slice %arg3[%add3A_19, %dma_start3A_23] : memref<2048x402xi32, #tpu.memory_space<hbm>> -> memref<1x402xi32, #tpu.memory_space<hbm>>
    %dma_start3A_25 = tpu.memref_squeeze %dma_start3A_24 : memref<1x402xi32, #tpu.memory_space<hbm>> -> memref<402xi32, #tpu.memory_space<hbm>>
    tpu.enqueue_dma source(%dma_start3A_25 : memref<402xi32, #tpu.memory_space<hbm>>) target(%arg7 : memref<402xi32, #tpu.memory_space<vmem>>) target_semaphore(%arg17 : memref<!tpu.dma_semaphore, #tpu.memory_space<semaphore_mem>>)
    %add3A_26 = arith.constant 3 : i32
    %add3A_27 = arith.addi %mul3A_2, %add3A_26 : i32
    %dma_start3A_28 = arith.constant 0 : i32
    %dma_start3A_29 = tpu.memref_slice %arg3[%add3A_27, %dma_start3A_28] : memref<2048x402xi32, #tpu.memory_space<hbm>> -> memref<1x402xi32, #tpu.memory_space<hbm>>
    %dma_start3A_30 = tpu.memref_squeeze %dma_start3A_29 : memref<1x402xi32, #tpu.memory_space<hbm>> -> memref<402xi32, #tpu.memory_space<hbm>>
    %dma_start3A_31 = arith.constant 0 : i32
    %dma_start3A_32 = tpu.memref_slice %arg3[%add3A_27, %dma_start3A_31] : memref<2048x402xi32, #tpu.memory_space<hbm>> -> memref<1x402xi32, #tpu.memory_space<hbm>>
    %dma_start3A_33 = tpu.memref_squeeze %dma_start3A_32 : memref<1x402xi32, #tpu.memory_space<hbm>> -> memref<402xi32, #tpu.memory_space<hbm>>
    tpu.enqueue_dma source(%dma_start3A_33 : memref<402xi32, #tpu.memory_space<hbm>>) target(%arg8 : memref<402xi32, #tpu.memory_space<vmem>>) target_semaphore(%arg18 : memref<!tpu.dma_semaphore, #tpu.memory_space<semaphore_mem>>)
    %scan3A = arith.constant 0 : i32
    %scan3A_34 = arith.constant 8 : i32
    %scan3A_35 = arith.addi %scan3A, %scan3A_34 : i32
    %scan3A_36 = arith.constant 1 : i32
    scf.for %scan3A_105 = %scan3A to %scan3A_35 step %scan3A_36  : i32 {
      %mul3A_106 = arith.constant 8 : i32
      %mul3A_107 = arith.muli %scan3A_105, %mul3A_106 : i32
      %add3A_108 = arith.constant 0 : i32
      %add3A_109 = arith.addi %add3A_108, %mul3A_107 : i32
      %add3A_110 = arith.constant 0 : i32
      %add3A_111 = arith.addi %add3A_109, %add3A_110 : i32
      %add3A_112 = arith.addi %mul3A_2, %add3A_111 : i32
      %mul3A_113 = arith.constant 2 : i32
      %mul3A_114 = arith.muli %add3A_112, %mul3A_113 : i32
      %ge3A = arith.constant 2 : i32
      %ge3A_115 = arith.cmpi sge, %add3A_111, %ge3A : i32
      %convert_element_type3A = arith.extui %ge3A_115 : i1 to i32
      %cond3A = arith.constant 0 : i32
      %cond3A_116 = arith.cmpi ne, %convert_element_type3A, %cond3A : i32
      scf.if %cond3A_116 {
        %sub3A = arith.constant 4 : i32
        %sub3A_586 = arith.subi %mul3A_114, %sub3A : i32
        %dma_wait3A_587 = arith.constant 0 : i32
        %dma_wait3A_588 = arith.constant 0 : i32
        %dma_wait3A_589 = tpu.memref_slice %arg13[%dma_wait3A_587, %dma_wait3A_588] : memref<402x128xf32, #tpu.memory_space<vmem>> -> memref<201x128xf32, #tpu.memory_space<vmem>>
        %dma_wait3A_590 = arith.constant 0 : i32
        %dma_wait3A_591 = arith.constant 0 : i32
        %dma_wait3A_592 = tpu.memref_slice %arg4[%sub3A_586, %dma_wait3A_590, %dma_wait3A_591] : memref<4096x201x128xf32, #tpu.memory_space<hbm>> -> memref<1x201x128xf32, #tpu.memory_space<hbm>>
        %dma_wait3A_593 = tpu.memref_squeeze %dma_wait3A_592 : memref<1x201x128xf32, #tpu.memory_space<hbm>> -> memref<201x128xf32, #tpu.memory_space<hbm>>
        %dma_wait3A_594 = arith.constant 0 : i32
        %dma_wait3A_595 = arith.constant 0 : i32
        %dma_wait3A_596 = tpu.memref_slice %arg4[%sub3A_586, %dma_wait3A_594, %dma_wait3A_595] : memref<4096x201x128xf32, #tpu.memory_space<hbm>> -> memref<1x201x128xf32, #tpu.memory_space<hbm>>
        %dma_wait3A_597 = tpu.memref_squeeze %dma_wait3A_596 : memref<1x201x128xf32, #tpu.memory_space<hbm>> -> memref<201x128xf32, #tpu.memory_space<hbm>>
        %dma_wait3A_598 = arith.constant 0 : i32
        %dma_wait3A_599 = arith.constant 0 : i32
        %dma_wait3A_600 = tpu.memref_slice %arg13[%dma_wait3A_598, %dma_wait3A_599] : memref<402x128xf32, #tpu.memory_space<vmem>> -> memref<201x128xf32, #tpu.memory_space<vmem>>
        tpu.wait_dma2 semaphore(%arg25 : memref<!tpu.dma_semaphore, #tpu.memory_space<semaphore_mem>>) src(%dma_wait3A_600 : memref<201x128xf32, #tpu.memory_space<vmem>>) dst(%dma_wait3A_597 : memref<201x128xf32, #tpu.memory_space<hbm>>)
        %sub3A_601 = arith.constant 3 : i32
        %sub3A_602 = arith.subi %mul3A_114, %sub3A_601 : i32
        %dma_wait3A_603 = arith.constant 201 : i32
        %dma_wait3A_604 = arith.constant 0 : i32
        %dma_wait3A_605 = tpu.memref_slice %arg13[%dma_wait3A_603, %dma_wait3A_604] : memref<402x128xf32, #tpu.memory_space<vmem>> -> memref<201x128xf32, #tpu.memory_space<vmem>>
        %dma_wait3A_606 = arith.constant 0 : i32
        %dma_wait3A_607 = arith.constant 0 : i32
        %dma_wait3A_608 = tpu.memref_slice %arg4[%sub3A_602, %dma_wait3A_606, %dma_wait3A_607] : memref<4096x201x128xf32, #tpu.memory_space<hbm>> -> memref<1x201x128xf32, #tpu.memory_space<hbm>>
        %dma_wait3A_609 = tpu.memref_squeeze %dma_wait3A_608 : memref<1x201x128xf32, #tpu.memory_space<hbm>> -> memref<201x128xf32, #tpu.memory_space<hbm>>
        %dma_wait3A_610 = arith.constant 0 : i32
        %dma_wait3A_611 = arith.constant 0 : i32
        %dma_wait3A_612 = tpu.memref_slice %arg4[%sub3A_602, %dma_wait3A_610, %dma_wait3A_611] : memref<4096x201x128xf32, #tpu.memory_space<hbm>> -> memref<1x201x128xf32, #tpu.memory_space<hbm>>
        %dma_wait3A_613 = tpu.memref_squeeze %dma_wait3A_612 : memref<1x201x128xf32, #tpu.memory_space<hbm>> -> memref<201x128xf32, #tpu.memory_space<hbm>>
        %dma_wait3A_614 = arith.constant 201 : i32
        %dma_wait3A_615 = arith.constant 0 : i32
        %dma_wait3A_616 = tpu.memref_slice %arg13[%dma_wait3A_614, %dma_wait3A_615] : memref<402x128xf32, #tpu.memory_space<vmem>> -> memref<201x128xf32, #tpu.memory_space<vmem>>
        tpu.wait_dma2 semaphore(%arg25 : memref<!tpu.dma_semaphore, #tpu.memory_space<semaphore_mem>>) src(%dma_wait3A_616 : memref<201x128xf32, #tpu.memory_space<vmem>>) dst(%dma_wait3A_613 : memref<201x128xf32, #tpu.memory_space<hbm>>)
      } else {
      }
      %add3A_117 = arith.addi %mul3A_2, %add3A_111 : i32
      %dma_wait3A_118 = arith.constant 0 : i32
      %dma_wait3A_119 = tpu.memref_slice %arg3[%add3A_117, %dma_wait3A_118] : memref<2048x402xi32, #tpu.memory_space<hbm>> -> memref<1x402xi32, #tpu.memory_space<hbm>>
      %dma_wait3A_120 = tpu.memref_squeeze %dma_wait3A_119 : memref<1x402xi32, #tpu.memory_space<hbm>> -> memref<402xi32, #tpu.memory_space<hbm>>
      %dma_wait3A_121 = arith.constant 0 : i32
      %dma_wait3A_122 = tpu.memref_slice %arg3[%add3A_117, %dma_wait3A_121] : memref<2048x402xi32, #tpu.memory_space<hbm>> -> memref<1x402xi32, #tpu.memory_space<hbm>>
      %dma_wait3A_123 = tpu.memref_squeeze %dma_wait3A_122 : memref<1x402xi32, #tpu.memory_space<hbm>> -> memref<402xi32, #tpu.memory_space<hbm>>
      tpu.wait_dma2 semaphore(%arg15 : memref<!tpu.dma_semaphore, #tpu.memory_space<semaphore_mem>>) src(%dma_wait3A_123 : memref<402xi32, #tpu.memory_space<hbm>>) dst(%arg5 : memref<402xi32, #tpu.memory_space<vmem>>)
      %dma_start3A_124 = arith.constant 0 : i32
      %dma_start3A_125 = arith.constant 0 : i32
      %dma_start3A_126 = tpu.memref_slice %arg2[%dma_start3A_124, %dma_start3A_125] : memref<208208x128xf32, #tpu.memory_space<hbm>> -> memref<208208x128xf32, #tpu.memory_space<hbm>>
      tpu.enqueue_indirect_dma source(%dma_start3A_126 : memref<208208x128xf32, #tpu.memory_space<hbm>>) target(%arg13 : memref<402x128xf32, #tpu.memory_space<vmem>>) offsets(%arg5 : memref<402xi32, #tpu.memory_space<vmem>>) semaphore(%arg23 : memref<!tpu.dma_semaphore, #tpu.memory_space<semaphore_mem>>)
      %dma_wait3A_127 = arith.constant 0 : i32
      %dma_wait3A_128 = arith.constant 0 : i32
      %dma_wait3A_129 = tpu.memref_slice %arg2[%dma_wait3A_127, %dma_wait3A_128] : memref<208208x128xf32, #tpu.memory_space<hbm>> -> memref<208208x128xf32, #tpu.memory_space<hbm>>
      tpu.wait_indirect_dma semaphore(%arg23 : memref<!tpu.dma_semaphore, #tpu.memory_space<semaphore_mem>>) src(%dma_wait3A_129 : memref<208208x128xf32, #tpu.memory_space<hbm>>) dst(%arg13 : memref<402x128xf32, #tpu.memory_space<vmem>>)
      %add3A_130 = arith.constant 4 : i32
      %add3A_131 = arith.addi %add3A_111, %add3A_130 : i32
      %lt3A = arith.constant 64 : i32
      %lt3A_132 = arith.cmpi slt, %add3A_131, %lt3A : i32
      %convert_element_type3A_133 = arith.extui %lt3A_132 : i1 to i32
      %cond3A_134 = arith.constant 0 : i32
      %cond3A_135 = arith.cmpi ne, %convert_element_type3A_133, %cond3A_134 : i32
      scf.if %cond3A_135 {
        %add3A_586 = arith.addi %mul3A_2, %add3A_111 : i32
        %add3A_587 = arith.constant 4 : i32
        %add3A_588 = arith.addi %add3A_586, %add3A_587 : i32
        %dma_start3A_589 = arith.constant 0 : i32
        %dma_start3A_590 = tpu.memref_slice %arg3[%add3A_588, %dma_start3A_589] : memref<2048x402xi32, #tpu.memory_space<hbm>> -> memref<1x402xi32, #tpu.memory_space<hbm>>
        %dma_start3A_591 = tpu.memref_squeeze %dma_start3A_590 : memref<1x402xi32, #tpu.memory_space<hbm>> -> memref<402xi32, #tpu.memory_space<hbm>>
        %dma_start3A_592 = arith.constant 0 : i32
        %dma_start3A_593 = tpu.memref_slice %arg3[%add3A_588, %dma_start3A_592] : memref<2048x402xi32, #tpu.memory_space<hbm>> -> memref<1x402xi32, #tpu.memory_space<hbm>>
        %dma_start3A_594 = tpu.memref_squeeze %dma_start3A_593 : memref<1x402xi32, #tpu.memory_space<hbm>> -> memref<402xi32, #tpu.memory_space<hbm>>
        tpu.enqueue_dma source(%dma_start3A_594 : memref<402xi32, #tpu.memory_space<hbm>>) target(%arg9 : memref<402xi32, #tpu.memory_space<vmem>>) target_semaphore(%arg19 : memref<!tpu.dma_semaphore, #tpu.memory_space<semaphore_mem>>)
      } else {
      }
      %dma_start3A_136 = arith.constant 0 : i32
      %dma_start3A_137 = arith.constant 0 : i32
      %dma_start3A_138 = tpu.memref_slice %arg13[%dma_start3A_136, %dma_start3A_137] : memref<402x128xf32, #tpu.memory_space<vmem>> -> memref<201x128xf32, #tpu.memory_space<vmem>>
      %dma_start3A_139 = arith.constant 0 : i32
      %dma_start3A_140 = arith.constant 0 : i32
      %dma_start3A_141 = tpu.memref_slice %arg4[%mul3A_114, %dma_start3A_139, %dma_start3A_140] : memref<4096x201x128xf32, #tpu.memory_space<hbm>> -> memref<1x201x128xf32, #tpu.memory_space<hbm>>
      %dma_start3A_142 = tpu.memref_squeeze %dma_start3A_141 : memref<1x201x128xf32, #tpu.memory_space<hbm>> -> memref<201x128xf32, #tpu.memory_space<hbm>>
      %dma_start3A_143 = arith.constant 0 : i32
      %dma_start3A_144 = arith.constant 0 : i32
      %dma_start3A_145 = tpu.memref_slice %arg4[%mul3A_114, %dma_start3A_143, %dma_start3A_144] : memref<4096x201x128xf32, #tpu.memory_space<hbm>> -> memref<1x201x128xf32, #tpu.memory_space<hbm>>
      %dma_start3A_146 = tpu.memref_squeeze %dma_start3A_145 : memref<1x201x128xf32, #tpu.memory_space<hbm>> -> memref<201x128xf32, #tpu.memory_space<hbm>>
      %dma_start3A_147 = arith.constant 0 : i32
      %dma_start3A_148 = arith.constant 0 : i32
      %dma_start3A_149 = tpu.memref_slice %arg13[%dma_start3A_147, %dma_start3A_148] : memref<402x128xf32, #tpu.memory_space<vmem>> -> memref<201x128xf32, #tpu.memory_space<vmem>>
      tpu.enqueue_dma source(%dma_start3A_149 : memref<201x128xf32, #tpu.memory_space<vmem>>) target(%dma_start3A_146 : memref<201x128xf32, #tpu.memory_space<hbm>>) target_semaphore(%arg25 : memref<!tpu.dma_semaphore, #tpu.memory_space<semaphore_mem>>)
      %add3A_150 = arith.constant 1 : i32
      %add3A_151 = arith.addi %mul3A_114, %add3A_150 : i32
      %dma_start3A_152 = arith.constant 201 : i32
      %dma_start3A_153 = arith.constant 0 : i32
      %dma_start3A_154 = tpu.memref_slice %arg13[%dma_start3A_152, %dma_start3A_153] : memref<402x128xf32, #tpu.memory_space<vmem>> -> memref<201x128xf32, #tpu.memory_space<vmem>>
      %dma_start3A_155 = arith.constant 0 : i32
      %dma_start3A_156 = arith.constant 0 : i32
      %dma_start3A_157 = tpu.memref_slice %arg4[%add3A_151, %dma_start3A_155, %dma_start3A_156] : memref<4096x201x128xf32, #tpu.memory_space<hbm>> -> memref<1x201x128xf32, #tpu.memory_space<hbm>>
      %dma_start3A_158 = tpu.memref_squeeze %dma_start3A_157 : memref<1x201x128xf32, #tpu.memory_space<hbm>> -> memref<201x128xf32, #tpu.memory_space<hbm>>
      %dma_start3A_159 = arith.constant 0 : i32
      %dma_start3A_160 = arith.constant 0 : i32
      %dma_start3A_161 = tpu.memref_slice %arg4[%add3A_151, %dma_start3A_159, %dma_start3A_160] : memref<4096x201x128xf32, #tpu.memory_space<hbm>> -> memref<1x201x128xf32, #tpu.memory_space<hbm>>
      %dma_start3A_162 = tpu.memref_squeeze %dma_start3A_161 : memref<1x201x128xf32, #tpu.memory_space<hbm>> -> memref<201x128xf32, #tpu.memory_space<hbm>>
      %dma_start3A_163 = arith.constant 201 : i32
      %dma_start3A_164 = arith.constant 0 : i32
      %dma_start3A_165 = tpu.memref_slice %arg13[%dma_start3A_163, %dma_start3A_164] : memref<402x128xf32, #tpu.memory_space<vmem>> -> memref<201x128xf32, #tpu.memory_space<vmem>>
      tpu.enqueue_dma source(%dma_start3A_165 : memref<201x128xf32, #tpu.memory_space<vmem>>) target(%dma_start3A_162 : memref<201x128xf32, #tpu.memory_space<hbm>>) target_semaphore(%arg25 : memref<!tpu.dma_semaphore, #tpu.memory_space<semaphore_mem>>)
      %add3A_166 = arith.constant 1 : i32
      %add3A_167 = arith.addi %add3A_109, %add3A_166 : i32
      %add3A_168 = arith.addi %mul3A_2, %add3A_167 : i32
      %mul3A_169 = arith.constant 2 : i32
      %mul3A_170 = arith.muli %add3A_168, %mul3A_169 : i32
      %ge3A_171 = arith.constant 2 : i32
      %ge3A_172 = arith.cmpi sge, %add3A_167, %ge3A_171 : i32
      %convert_element_type3A_173 = arith.extui %ge3A_172 : i1 to i32
      %cond3A_174 = arith.constant 0 : i32
      %cond3A_175 = arith.cmpi ne, %convert_element_type3A_173, %cond3A_174 : i32
      scf.if %cond3A_175 {
        %sub3A = arith.constant 4 : i32
        %sub3A_586 = arith.subi %mul3A_170, %sub3A : i32
        %dma_wait3A_587 = arith.constant 0 : i32
        %dma_wait3A_588 = arith.constant 0 : i32
        %dma_wait3A_589 = tpu.memref_slice %arg14[%dma_wait3A_587, %dma_wait3A_588] : memref<402x128xf32, #tpu.memory_space<vmem>> -> memref<201x128xf32, #tpu.memory_space<vmem>>
        %dma_wait3A_590 = arith.constant 0 : i32
        %dma_wait3A_591 = arith.constant 0 : i32
        %dma_wait3A_592 = tpu.memref_slice %arg4[%sub3A_586, %dma_wait3A_590, %dma_wait3A_591] : memref<4096x201x128xf32, #tpu.memory_space<hbm>> -> memref<1x201x128xf32, #tpu.memory_space<hbm>>
        %dma_wait3A_593 = tpu.memref_squeeze %dma_wait3A_592 : memref<1x201x128xf32, #tpu.memory_space<hbm>> -> memref<201x128xf32, #tpu.memory_space<hbm>>
        %dma_wait3A_594 = arith.constant 0 : i32
        %dma_wait3A_595 = arith.constant 0 : i32
        %dma_wait3A_596 = tpu.memref_slice %arg4[%sub3A_586, %dma_wait3A_594, %dma_wait3A_595] : memref<4096x201x128xf32, #tpu.memory_space<hbm>> -> memref<1x201x128xf32, #tpu.memory_space<hbm>>
        %dma_wait3A_597 = tpu.memref_squeeze %dma_wait3A_596 : memref<1x201x128xf32, #tpu.memory_space<hbm>> -> memref<201x128xf32, #tpu.memory_space<hbm>>
        %dma_wait3A_598 = arith.constant 0 : i32
        %dma_wait3A_599 = arith.constant 0 : i32
        %dma_wait3A_600 = tpu.memref_slice %arg14[%dma_wait3A_598, %dma_wait3A_599] : memref<402x128xf32, #tpu.memory_space<vmem>> -> memref<201x128xf32, #tpu.memory_space<vmem>>
        tpu.wait_dma2 semaphore(%arg26 : memref<!tpu.dma_semaphore, #tpu.memory_space<semaphore_mem>>) src(%dma_wait3A_600 : memref<201x128xf32, #tpu.memory_space<vmem>>) dst(%dma_wait3A_597 : memref<201x128xf32, #tpu.memory_space<hbm>>)
        %sub3A_601 = arith.constant 3 : i32
        %sub3A_602 = arith.subi %mul3A_170, %sub3A_601 : i32
        %dma_wait3A_603 = arith.constant 201 : i32
        %dma_wait3A_604 = arith.constant 0 : i32
        %dma_wait3A_605 = tpu.memref_slice %arg14[%dma_wait3A_603, %dma_wait3A_604] : memref<402x128xf32, #tpu.memory_space<vmem>> -> memref<201x128xf32, #tpu.memory_space<vmem>>
        %dma_wait3A_606 = arith.constant 0 : i32
        %dma_wait3A_607 = arith.constant 0 : i32
        %dma_wait3A_608 = tpu.memref_slice %arg4[%sub3A_602, %dma_wait3A_606, %dma_wait3A_607] : memref<4096x201x128xf32, #tpu.memory_space<hbm>> -> memref<1x201x128xf32, #tpu.memory_space<hbm>>
        %dma_wait3A_609 = tpu.memref_squeeze %dma_wait3A_608 : memref<1x201x128xf32, #tpu.memory_space<hbm>> -> memref<201x128xf32, #tpu.memory_space<hbm>>
        %dma_wait3A_610 = arith.constant 0 : i32
        %dma_wait3A_611 = arith.constant 0 : i32
        %dma_wait3A_612 = tpu.memref_slice %arg4[%sub3A_602, %dma_wait3A_610, %dma_wait3A_611] : memref<4096x201x128xf32, #tpu.memory_space<hbm>> -> memref<1x201x128xf32, #tpu.memory_space<hbm>>
        %dma_wait3A_613 = tpu.memref_squeeze %dma_wait3A_612 : memref<1x201x128xf32, #tpu.memory_space<hbm>> -> memref<201x128xf32, #tpu.memory_space<hbm>>
        %dma_wait3A_614 = arith.constant 201 : i32
        %dma_wait3A_615 = arith.constant 0 : i32
        %dma_wait3A_616 = tpu.memref_slice %arg14[%dma_wait3A_614, %dma_wait3A_615] : memref<402x128xf32, #tpu.memory_space<vmem>> -> memref<201x128xf32, #tpu.memory_space<vmem>>
        tpu.wait_dma2 semaphore(%arg26 : memref<!tpu.dma_semaphore, #tpu.memory_space<semaphore_mem>>) src(%dma_wait3A_616 : memref<201x128xf32, #tpu.memory_space<vmem>>) dst(%dma_wait3A_613 : memref<201x128xf32, #tpu.memory_space<hbm>>)
      } else {
      }
      %add3A_176 = arith.addi %mul3A_2, %add3A_167 : i32
      %dma_wait3A_177 = arith.constant 0 : i32
      %dma_wait3A_178 = tpu.memref_slice %arg3[%add3A_176, %dma_wait3A_177] : memref<2048x402xi32, #tpu.memory_space<hbm>> -> memref<1x402xi32, #tpu.memory_space<hbm>>
      %dma_wait3A_179 = tpu.memref_squeeze %dma_wait3A_178 : memref<1x402xi32, #tpu.memory_space<hbm>> -> memref<402xi32, #tpu.memory_space<hbm>>
      %dma_wait3A_180 = arith.constant 0 : i32
      %dma_wait3A_181 = tpu.memref_slice %arg3[%add3A_176, %dma_wait3A_180] : memref<2048x402xi32, #tpu.memory_space<hbm>> -> memref<1x402xi32, #tpu.memory_space<hbm>>
      %dma_wait3A_182 = tpu.memref_squeeze %dma_wait3A_181 : memref<1x402xi32, #tpu.memory_space<hbm>> -> memref<402xi32, #tpu.memory_space<hbm>>
      tpu.wait_dma2 semaphore(%arg16 : memref<!tpu.dma_semaphore, #tpu.memory_space<semaphore_mem>>) src(%dma_wait3A_182 : memref<402xi32, #tpu.memory_space<hbm>>) dst(%arg6 : memref<402xi32, #tpu.memory_space<vmem>>)
      %dma_start3A_183 = arith.constant 0 : i32
      %dma_start3A_184 = arith.constant 0 : i32
      %dma_start3A_185 = tpu.memref_slice %arg2[%dma_start3A_183, %dma_start3A_184] : memref<208208x128xf32, #tpu.memory_space<hbm>> -> memref<208208x128xf32, #tpu.memory_space<hbm>>
      tpu.enqueue_indirect_dma source(%dma_start3A_185 : memref<208208x128xf32, #tpu.memory_space<hbm>>) target(%arg14 : memref<402x128xf32, #tpu.memory_space<vmem>>) offsets(%arg6 : memref<402xi32, #tpu.memory_space<vmem>>) semaphore(%arg24 : memref<!tpu.dma_semaphore, #tpu.memory_space<semaphore_mem>>)
      %dma_wait3A_186 = arith.constant 0 : i32
      %dma_wait3A_187 = arith.constant 0 : i32
      %dma_wait3A_188 = tpu.memref_slice %arg2[%dma_wait3A_186, %dma_wait3A_187] : memref<208208x128xf32, #tpu.memory_space<hbm>> -> memref<208208x128xf32, #tpu.memory_space<hbm>>
      tpu.wait_indirect_dma semaphore(%arg24 : memref<!tpu.dma_semaphore, #tpu.memory_space<semaphore_mem>>) src(%dma_wait3A_188 : memref<208208x128xf32, #tpu.memory_space<hbm>>) dst(%arg14 : memref<402x128xf32, #tpu.memory_space<vmem>>)
      %add3A_189 = arith.constant 4 : i32
      %add3A_190 = arith.addi %add3A_167, %add3A_189 : i32
      %lt3A_191 = arith.constant 64 : i32
      %lt3A_192 = arith.cmpi slt, %add3A_190, %lt3A_191 : i32
      %convert_element_type3A_193 = arith.extui %lt3A_192 : i1 to i32
      %cond3A_194 = arith.constant 0 : i32
      %cond3A_195 = arith.cmpi ne, %convert_element_type3A_193, %cond3A_194 : i32
      scf.if %cond3A_195 {
        %add3A_586 = arith.addi %mul3A_2, %add3A_167 : i32
        %add3A_587 = arith.constant 4 : i32
        %add3A_588 = arith.addi %add3A_586, %add3A_587 : i32
        %dma_start3A_589 = arith.constant 0 : i32
        %dma_start3A_590 = tpu.memref_slice %arg3[%add3A_588, %dma_start3A_589] : memref<2048x402xi32, #tpu.memory_space<hbm>> -> memref<1x402xi32, #tpu.memory_space<hbm>>
        %dma_start3A_591 = tpu.memref_squeeze %dma_start3A_590 : memref<1x402xi32, #tpu.memory_space<hbm>> -> memref<402xi32, #tpu.memory_space<hbm>>
        %dma_start3A_592 = arith.constant 0 : i32
        %dma_start3A_593 = tpu.memref_slice %arg3[%add3A_588, %dma_start3A_592] : memref<2048x402xi32, #tpu.memory_space<hbm>> -> memref<1x402xi32, #tpu.memory_space<hbm>>
        %dma_start3A_594 = tpu.memref_squeeze %dma_start3A_593 : memref<1x402xi32, #tpu.memory_space<hbm>> -> memref<402xi32, #tpu.memory_space<hbm>>
        tpu.enqueue_dma source(%dma_start3A_594 : memref<402xi32, #tpu.memory_space<hbm>>) target(%arg10 : memref<402xi32, #tpu.memory_space<vmem>>) target_semaphore(%arg20 : memref<!tpu.dma_semaphore, #tpu.memory_space<semaphore_mem>>)
      } else {
      }
      %dma_start3A_196 = arith.constant 0 : i32
      %dma_start3A_197 = arith.constant 0 : i32
      %dma_start3A_198 = tpu.memref_slice %arg14[%dma_start3A_196, %dma_start3A_197] : memref<402x128xf32, #tpu.memory_space<vmem>> -> memref<201x128xf32, #tpu.memory_space<vmem>>
      %dma_start3A_199 = arith.constant 0 : i32
      %dma_start3A_200 = arith.constant 0 : i32
      %dma_start3A_201 = tpu.memref_slice %arg4[%mul3A_170, %dma_start3A_199, %dma_start3A_200] : memref<4096x201x128xf32, #tpu.memory_space<hbm>> -> memref<1x201x128xf32, #tpu.memory_space<hbm>>
      %dma_start3A_202 = tpu.memref_squeeze %dma_start3A_201 : memref<1x201x128xf32, #tpu.memory_space<hbm>> -> memref<201x128xf32, #tpu.memory_space<hbm>>
      %dma_start3A_203 = arith.constant 0 : i32
      %dma_start3A_204 = arith.constant 0 : i32
      %dma_start3A_205 = tpu.memref_slice %arg4[%mul3A_170, %dma_start3A_203, %dma_start3A_204] : memref<4096x201x128xf32, #tpu.memory_space<hbm>> -> memref<1x201x128xf32, #tpu.memory_space<hbm>>
      %dma_start3A_206 = tpu.memref_squeeze %dma_start3A_205 : memref<1x201x128xf32, #tpu.memory_space<hbm>> -> memref<201x128xf32, #tpu.memory_space<hbm>>
      %dma_start3A_207 = arith.constant 0 : i32
      %dma_start3A_208 = arith.constant 0 : i32
      %dma_start3A_209 = tpu.memref_slice %arg14[%dma_start3A_207, %dma_start3A_208] : memref<402x128xf32, #tpu.memory_space<vmem>> -> memref<201x128xf32, #tpu.memory_space<vmem>>
      tpu.enqueue_dma source(%dma_start3A_209 : memref<201x128xf32, #tpu.memory_space<vmem>>) target(%dma_start3A_206 : memref<201x128xf32, #tpu.memory_space<hbm>>) target_semaphore(%arg26 : memref<!tpu.dma_semaphore, #tpu.memory_space<semaphore_mem>>)
      %add3A_210 = arith.constant 1 : i32
      %add3A_211 = arith.addi %mul3A_170, %add3A_210 : i32
      %dma_start3A_212 = arith.constant 201 : i32
      %dma_start3A_213 = arith.constant 0 : i32
      %dma_start3A_214 = tpu.memref_slice %arg14[%dma_start3A_212, %dma_start3A_213] : memref<402x128xf32, #tpu.memory_space<vmem>> -> memref<201x128xf32, #tpu.memory_space<vmem>>
      %dma_start3A_215 = arith.constant 0 : i32
      %dma_start3A_216 = arith.constant 0 : i32
      %dma_start3A_217 = tpu.memref_slice %arg4[%add3A_211, %dma_start3A_215, %dma_start3A_216] : memref<4096x201x128xf32, #tpu.memory_space<hbm>> -> memref<1x201x128xf32, #tpu.memory_space<hbm>>
      %dma_start3A_218 = tpu.memref_squeeze %dma_start3A_217 : memref<1x201x128xf32, #tpu.memory_space<hbm>> -> memref<201x128xf32, #tpu.memory_space<hbm>>
      %dma_start3A_219 = arith.constant 0 : i32
      %dma_start3A_220 = arith.constant 0 : i32
      %dma_start3A_221 = tpu.memref_slice %arg4[%add3A_211, %dma_start3A_219, %dma_start3A_220] : memref<4096x201x128xf32, #tpu.memory_space<hbm>> -> memref<1x201x128xf32, #tpu.memory_space<hbm>>
      %dma_start3A_222 = tpu.memref_squeeze %dma_start3A_221 : memref<1x201x128xf32, #tpu.memory_space<hbm>> -> memref<201x128xf32, #tpu.memory_space<hbm>>
      %dma_start3A_223 = arith.constant 201 : i32
      %dma_start3A_224 = arith.constant 0 : i32
      %dma_start3A_225 = tpu.memref_slice %arg14[%dma_start3A_223, %dma_start3A_224] : memref<402x128xf32, #tpu.memory_space<vmem>> -> memref<201x128xf32, #tpu.memory_space<vmem>>
      tpu.enqueue_dma source(%dma_start3A_225 : memref<201x128xf32, #tpu.memory_space<vmem>>) target(%dma_start3A_222 : memref<201x128xf32, #tpu.memory_space<hbm>>) target_semaphore(%arg26 : memref<!tpu.dma_semaphore, #tpu.memory_space<semaphore_mem>>)
      %add3A_226 = arith.constant 2 : i32
      %add3A_227 = arith.addi %add3A_109, %add3A_226 : i32
      %add3A_228 = arith.addi %mul3A_2, %add3A_227 : i32
      %mul3A_229 = arith.constant 2 : i32
      %mul3A_230 = arith.muli %add3A_228, %mul3A_229 : i32
      %ge3A_231 = arith.constant 2 : i32
      %ge3A_232 = arith.cmpi sge, %add3A_227, %ge3A_231 : i32
      %convert_element_type3A_233 = arith.extui %ge3A_232 : i1 to i32
      %cond3A_234 = arith.constant 0 : i32
      %cond3A_235 = arith.cmpi ne, %convert_element_type3A_233, %cond3A_234 : i32
      scf.if %cond3A_235 {
        %sub3A = arith.constant 4 : i32
        %sub3A_586 = arith.subi %mul3A_230, %sub3A : i32
        %dma_wait3A_587 = arith.constant 0 : i32
        %dma_wait3A_588 = arith.constant 0 : i32
        %dma_wait3A_589 = tpu.memref_slice %arg13[%dma_wait3A_587, %dma_wait3A_588] : memref<402x128xf32, #tpu.memory_space<vmem>> -> memref<201x128xf32, #tpu.memory_space<vmem>>
        %dma_wait3A_590 = arith.constant 0 : i32
        %dma_wait3A_591 = arith.constant 0 : i32
        %dma_wait3A_592 = tpu.memref_slice %arg4[%sub3A_586, %dma_wait3A_590, %dma_wait3A_591] : memref<4096x201x128xf32, #tpu.memory_space<hbm>> -> memref<1x201x128xf32, #tpu.memory_space<hbm>>
        %dma_wait3A_593 = tpu.memref_squeeze %dma_wait3A_592 : memref<1x201x128xf32, #tpu.memory_space<hbm>> -> memref<201x128xf32, #tpu.memory_space<hbm>>
        %dma_wait3A_594 = arith.constant 0 : i32
        %dma_wait3A_595 = arith.constant 0 : i32
        %dma_wait3A_596 = tpu.memref_slice %arg4[%sub3A_586, %dma_wait3A_594, %dma_wait3A_595] : memref<4096x201x128xf32, #tpu.memory_space<hbm>> -> memref<1x201x128xf32, #tpu.memory_space<hbm>>
        %dma_wait3A_597 = tpu.memref_squeeze %dma_wait3A_596 : memref<1x201x128xf32, #tpu.memory_space<hbm>> -> memref<201x128xf32, #tpu.memory_space<hbm>>
        %dma_wait3A_598 = arith.constant 0 : i32
        %dma_wait3A_599 = arith.constant 0 : i32
        %dma_wait3A_600 = tpu.memref_slice %arg13[%dma_wait3A_598, %dma_wait3A_599] : memref<402x128xf32, #tpu.memory_space<vmem>> -> memref<201x128xf32, #tpu.memory_space<vmem>>
        tpu.wait_dma2 semaphore(%arg25 : memref<!tpu.dma_semaphore, #tpu.memory_space<semaphore_mem>>) src(%dma_wait3A_600 : memref<201x128xf32, #tpu.memory_space<vmem>>) dst(%dma_wait3A_597 : memref<201x128xf32, #tpu.memory_space<hbm>>)
        %sub3A_601 = arith.constant 3 : i32
        %sub3A_602 = arith.subi %mul3A_230, %sub3A_601 : i32
        %dma_wait3A_603 = arith.constant 201 : i32
        %dma_wait3A_604 = arith.constant 0 : i32
        %dma_wait3A_605 = tpu.memref_slice %arg13[%dma_wait3A_603, %dma_wait3A_604] : memref<402x128xf32, #tpu.memory_space<vmem>> -> memref<201x128xf32, #tpu.memory_space<vmem>>
        %dma_wait3A_606 = arith.constant 0 : i32
        %dma_wait3A_607 = arith.constant 0 : i32
        %dma_wait3A_608 = tpu.memref_slice %arg4[%sub3A_602, %dma_wait3A_606, %dma_wait3A_607] : memref<4096x201x128xf32, #tpu.memory_space<hbm>> -> memref<1x201x128xf32, #tpu.memory_space<hbm>>
        %dma_wait3A_609 = tpu.memref_squeeze %dma_wait3A_608 : memref<1x201x128xf32, #tpu.memory_space<hbm>> -> memref<201x128xf32, #tpu.memory_space<hbm>>
        %dma_wait3A_610 = arith.constant 0 : i32
        %dma_wait3A_611 = arith.constant 0 : i32
        %dma_wait3A_612 = tpu.memref_slice %arg4[%sub3A_602, %dma_wait3A_610, %dma_wait3A_611] : memref<4096x201x128xf32, #tpu.memory_space<hbm>> -> memref<1x201x128xf32, #tpu.memory_space<hbm>>
        %dma_wait3A_613 = tpu.memref_squeeze %dma_wait3A_612 : memref<1x201x128xf32, #tpu.memory_space<hbm>> -> memref<201x128xf32, #tpu.memory_space<hbm>>
        %dma_wait3A_614 = arith.constant 201 : i32
        %dma_wait3A_615 = arith.constant 0 : i32
        %dma_wait3A_616 = tpu.memref_slice %arg13[%dma_wait3A_614, %dma_wait3A_615] : memref<402x128xf32, #tpu.memory_space<vmem>> -> memref<201x128xf32, #tpu.memory_space<vmem>>
        tpu.wait_dma2 semaphore(%arg25 : memref<!tpu.dma_semaphore, #tpu.memory_space<semaphore_mem>>) src(%dma_wait3A_616 : memref<201x128xf32, #tpu.memory_space<vmem>>) dst(%dma_wait3A_613 : memref<201x128xf32, #tpu.memory_space<hbm>>)
      } else {
      }
      %add3A_236 = arith.addi %mul3A_2, %add3A_227 : i32
      %dma_wait3A_237 = arith.constant 0 : i32
      %dma_wait3A_238 = tpu.memref_slice %arg3[%add3A_236, %dma_wait3A_237] : memref<2048x402xi32, #tpu.memory_space<hbm>> -> memref<1x402xi32, #tpu.memory_space<hbm>>
      %dma_wait3A_239 = tpu.memref_squeeze %dma_wait3A_238 : memref<1x402xi32, #tpu.memory_space<hbm>> -> memref<402xi32, #tpu.memory_space<hbm>>
      %dma_wait3A_240 = arith.constant 0 : i32
      %dma_wait3A_241 = tpu.memref_slice %arg3[%add3A_236, %dma_wait3A_240] : memref<2048x402xi32, #tpu.memory_space<hbm>> -> memref<1x402xi32, #tpu.memory_space<hbm>>
      %dma_wait3A_242 = tpu.memref_squeeze %dma_wait3A_241 : memref<1x402xi32, #tpu.memory_space<hbm>> -> memref<402xi32, #tpu.memory_space<hbm>>
      tpu.wait_dma2 semaphore(%arg17 : memref<!tpu.dma_semaphore, #tpu.memory_space<semaphore_mem>>) src(%dma_wait3A_242 : memref<402xi32, #tpu.memory_space<hbm>>) dst(%arg7 : memref<402xi32, #tpu.memory_space<vmem>>)
      %dma_start3A_243 = arith.constant 0 : i32
      %dma_start3A_244 = arith.constant 0 : i32
      %dma_start3A_245 = tpu.memref_slice %arg2[%dma_start3A_243, %dma_start3A_244] : memref<208208x128xf32, #tpu.memory_space<hbm>> -> memref<208208x128xf32, #tpu.memory_space<hbm>>
      tpu.enqueue_indirect_dma source(%dma_start3A_245 : memref<208208x128xf32, #tpu.memory_space<hbm>>) target(%arg13 : memref<402x128xf32, #tpu.memory_space<vmem>>) offsets(%arg7 : memref<402xi32, #tpu.memory_space<vmem>>) semaphore(%arg23 : memref<!tpu.dma_semaphore, #tpu.memory_space<semaphore_mem>>)
      %dma_wait3A_246 = arith.constant 0 : i32
      %dma_wait3A_247 = arith.constant 0 : i32
      %dma_wait3A_248 = tpu.memref_slice %arg2[%dma_wait3A_246, %dma_wait3A_247] : memref<208208x128xf32, #tpu.memory_space<hbm>> -> memref<208208x128xf32, #tpu.memory_space<hbm>>
      tpu.wait_indirect_dma semaphore(%arg23 : memref<!tpu.dma_semaphore, #tpu.memory_space<semaphore_mem>>) src(%dma_wait3A_248 : memref<208208x128xf32, #tpu.memory_space<hbm>>) dst(%arg13 : memref<402x128xf32, #tpu.memory_space<vmem>>)
      %add3A_249 = arith.constant 4 : i32
      %add3A_250 = arith.addi %add3A_227, %add3A_249 : i32
      %lt3A_251 = arith.constant 64 : i32
      %lt3A_252 = arith.cmpi slt, %add3A_250, %lt3A_251 : i32
      %convert_element_type3A_253 = arith.extui %lt3A_252 : i1 to i32
      %cond3A_254 = arith.constant 0 : i32
      %cond3A_255 = arith.cmpi ne, %convert_element_type3A_253, %cond3A_254 : i32
      scf.if %cond3A_255 {
        %add3A_586 = arith.addi %mul3A_2, %add3A_227 : i32
        %add3A_587 = arith.constant 4 : i32
        %add3A_588 = arith.addi %add3A_586, %add3A_587 : i32
        %dma_start3A_589 = arith.constant 0 : i32
        %dma_start3A_590 = tpu.memref_slice %arg3[%add3A_588, %dma_start3A_589] : memref<2048x402xi32, #tpu.memory_space<hbm>> -> memref<1x402xi32, #tpu.memory_space<hbm>>
        %dma_start3A_591 = tpu.memref_squeeze %dma_start3A_590 : memref<1x402xi32, #tpu.memory_space<hbm>> -> memref<402xi32, #tpu.memory_space<hbm>>
        %dma_start3A_592 = arith.constant 0 : i32
        %dma_start3A_593 = tpu.memref_slice %arg3[%add3A_588, %dma_start3A_592] : memref<2048x402xi32, #tpu.memory_space<hbm>> -> memref<1x402xi32, #tpu.memory_space<hbm>>
        %dma_start3A_594 = tpu.memref_squeeze %dma_start3A_593 : memref<1x402xi32, #tpu.memory_space<hbm>> -> memref<402xi32, #tpu.memory_space<hbm>>
        tpu.enqueue_dma source(%dma_start3A_594 : memref<402xi32, #tpu.memory_space<hbm>>) target(%arg11 : memref<402xi32, #tpu.memory_space<vmem>>) target_semaphore(%arg21 : memref<!tpu.dma_semaphore, #tpu.memory_space<semaphore_mem>>)
      } else {
      }
      %dma_start3A_256 = arith.constant 0 : i32
      %dma_start3A_257 = arith.constant 0 : i32
      %dma_start3A_258 = tpu.memref_slice %arg13[%dma_start3A_256, %dma_start3A_257] : memref<402x128xf32, #tpu.memory_space<vmem>> -> memref<201x128xf32, #tpu.memory_space<vmem>>
      %dma_start3A_259 = arith.constant 0 : i32
      %dma_start3A_260 = arith.constant 0 : i32
      %dma_start3A_261 = tpu.memref_slice %arg4[%mul3A_230, %dma_start3A_259, %dma_start3A_260] : memref<4096x201x128xf32, #tpu.memory_space<hbm>> -> memref<1x201x128xf32, #tpu.memory_space<hbm>>
      %dma_start3A_262 = tpu.memref_squeeze %dma_start3A_261 : memref<1x201x128xf32, #tpu.memory_space<hbm>> -> memref<201x128xf32, #tpu.memory_space<hbm>>
      %dma_start3A_263 = arith.constant 0 : i32
      %dma_start3A_264 = arith.constant 0 : i32
      %dma_start3A_265 = tpu.memref_slice %arg4[%mul3A_230, %dma_start3A_263, %dma_start3A_264] : memref<4096x201x128xf32, #tpu.memory_space<hbm>> -> memref<1x201x128xf32, #tpu.memory_space<hbm>>
      %dma_start3A_266 = tpu.memref_squeeze %dma_start3A_265 : memref<1x201x128xf32, #tpu.memory_space<hbm>> -> memref<201x128xf32, #tpu.memory_space<hbm>>
      %dma_start3A_267 = arith.constant 0 : i32
      %dma_start3A_268 = arith.constant 0 : i32
      %dma_start3A_269 = tpu.memref_slice %arg13[%dma_start3A_267, %dma_start3A_268] : memref<402x128xf32, #tpu.memory_space<vmem>> -> memref<201x128xf32, #tpu.memory_space<vmem>>
      tpu.enqueue_dma source(%dma_start3A_269 : memref<201x128xf32, #tpu.memory_space<vmem>>) target(%dma_start3A_266 : memref<201x128xf32, #tpu.memory_space<hbm>>) target_semaphore(%arg25 : memref<!tpu.dma_semaphore, #tpu.memory_space<semaphore_mem>>)
      %add3A_270 = arith.constant 1 : i32
      %add3A_271 = arith.addi %mul3A_230, %add3A_270 : i32
      %dma_start3A_272 = arith.constant 201 : i32
      %dma_start3A_273 = arith.constant 0 : i32
      %dma_start3A_274 = tpu.memref_slice %arg13[%dma_start3A_272, %dma_start3A_273] : memref<402x128xf32, #tpu.memory_space<vmem>> -> memref<201x128xf32, #tpu.memory_space<vmem>>
      %dma_start3A_275 = arith.constant 0 : i32
      %dma_start3A_276 = arith.constant 0 : i32
      %dma_start3A_277 = tpu.memref_slice %arg4[%add3A_271, %dma_start3A_275, %dma_start3A_276] : memref<4096x201x128xf32, #tpu.memory_space<hbm>> -> memref<1x201x128xf32, #tpu.memory_space<hbm>>
      %dma_start3A_278 = tpu.memref_squeeze %dma_start3A_277 : memref<1x201x128xf32, #tpu.memory_space<hbm>> -> memref<201x128xf32, #tpu.memory_space<hbm>>
      %dma_start3A_279 = arith.constant 0 : i32
      %dma_start3A_280 = arith.constant 0 : i32
      %dma_start3A_281 = tpu.memref_slice %arg4[%add3A_271, %dma_start3A_279, %dma_start3A_280] : memref<4096x201x128xf32, #tpu.memory_space<hbm>> -> memref<1x201x128xf32, #tpu.memory_space<hbm>>
      %dma_start3A_282 = tpu.memref_squeeze %dma_start3A_281 : memref<1x201x128xf32, #tpu.memory_space<hbm>> -> memref<201x128xf32, #tpu.memory_space<hbm>>
      %dma_start3A_283 = arith.constant 201 : i32
      %dma_start3A_284 = arith.constant 0 : i32
      %dma_start3A_285 = tpu.memref_slice %arg13[%dma_start3A_283, %dma_start3A_284] : memref<402x128xf32, #tpu.memory_space<vmem>> -> memref<201x128xf32, #tpu.memory_space<vmem>>
      tpu.enqueue_dma source(%dma_start3A_285 : memref<201x128xf32, #tpu.memory_space<vmem>>) target(%dma_start3A_282 : memref<201x128xf32, #tpu.memory_space<hbm>>) target_semaphore(%arg25 : memref<!tpu.dma_semaphore, #tpu.memory_space<semaphore_mem>>)
      %add3A_286 = arith.constant 3 : i32
      %add3A_287 = arith.addi %add3A_109, %add3A_286 : i32
      %add3A_288 = arith.addi %mul3A_2, %add3A_287 : i32
      %mul3A_289 = arith.constant 2 : i32
      %mul3A_290 = arith.muli %add3A_288, %mul3A_289 : i32
      %ge3A_291 = arith.constant 2 : i32
      %ge3A_292 = arith.cmpi sge, %add3A_287, %ge3A_291 : i32
      %convert_element_type3A_293 = arith.extui %ge3A_292 : i1 to i32
      %cond3A_294 = arith.constant 0 : i32
      %cond3A_295 = arith.cmpi ne, %convert_element_type3A_293, %cond3A_294 : i32
      scf.if %cond3A_295 {
        %sub3A = arith.constant 4 : i32
        %sub3A_586 = arith.subi %mul3A_290, %sub3A : i32
        %dma_wait3A_587 = arith.constant 0 : i32
        %dma_wait3A_588 = arith.constant 0 : i32
        %dma_wait3A_589 = tpu.memref_slice %arg14[%dma_wait3A_587, %dma_wait3A_588] : memref<402x128xf32, #tpu.memory_space<vmem>> -> memref<201x128xf32, #tpu.memory_space<vmem>>
        %dma_wait3A_590 = arith.constant 0 : i32
        %dma_wait3A_591 = arith.constant 0 : i32
        %dma_wait3A_592 = tpu.memref_slice %arg4[%sub3A_586, %dma_wait3A_590, %dma_wait3A_591] : memref<4096x201x128xf32, #tpu.memory_space<hbm>> -> memref<1x201x128xf32, #tpu.memory_space<hbm>>
        %dma_wait3A_593 = tpu.memref_squeeze %dma_wait3A_592 : memref<1x201x128xf32, #tpu.memory_space<hbm>> -> memref<201x128xf32, #tpu.memory_space<hbm>>
        %dma_wait3A_594 = arith.constant 0 : i32
        %dma_wait3A_595 = arith.constant 0 : i32
        %dma_wait3A_596 = tpu.memref_slice %arg4[%sub3A_586, %dma_wait3A_594, %dma_wait3A_595] : memref<4096x201x128xf32, #tpu.memory_space<hbm>> -> memref<1x201x128xf32, #tpu.memory_space<hbm>>
        %dma_wait3A_597 = tpu.memref_squeeze %dma_wait3A_596 : memref<1x201x128xf32, #tpu.memory_space<hbm>> -> memref<201x128xf32, #tpu.memory_space<hbm>>
        %dma_wait3A_598 = arith.constant 0 : i32
        %dma_wait3A_599 = arith.constant 0 : i32
        %dma_wait3A_600 = tpu.memref_slice %arg14[%dma_wait3A_598, %dma_wait3A_599] : memref<402x128xf32, #tpu.memory_space<vmem>> -> memref<201x128xf32, #tpu.memory_space<vmem>>
        tpu.wait_dma2 semaphore(%arg26 : memref<!tpu.dma_semaphore, #tpu.memory_space<semaphore_mem>>) src(%dma_wait3A_600 : memref<201x128xf32, #tpu.memory_space<vmem>>) dst(%dma_wait3A_597 : memref<201x128xf32, #tpu.memory_space<hbm>>)
        %sub3A_601 = arith.constant 3 : i32
        %sub3A_602 = arith.subi %mul3A_290, %sub3A_601 : i32
        %dma_wait3A_603 = arith.constant 201 : i32
        %dma_wait3A_604 = arith.constant 0 : i32
        %dma_wait3A_605 = tpu.memref_slice %arg14[%dma_wait3A_603, %dma_wait3A_604] : memref<402x128xf32, #tpu.memory_space<vmem>> -> memref<201x128xf32, #tpu.memory_space<vmem>>
        %dma_wait3A_606 = arith.constant 0 : i32
        %dma_wait3A_607 = arith.constant 0 : i32
        %dma_wait3A_608 = tpu.memref_slice %arg4[%sub3A_602, %dma_wait3A_606, %dma_wait3A_607] : memref<4096x201x128xf32, #tpu.memory_space<hbm>> -> memref<1x201x128xf32, #tpu.memory_space<hbm>>
        %dma_wait3A_609 = tpu.memref_squeeze %dma_wait3A_608 : memref<1x201x128xf32, #tpu.memory_space<hbm>> -> memref<201x128xf32, #tpu.memory_space<hbm>>
        %dma_wait3A_610 = arith.constant 0 : i32
        %dma_wait3A_611 = arith.constant 0 : i32
        %dma_wait3A_612 = tpu.memref_slice %arg4[%sub3A_602, %dma_wait3A_610, %dma_wait3A_611] : memref<4096x201x128xf32, #tpu.memory_space<hbm>> -> memref<1x201x128xf32, #tpu.memory_space<hbm>>
        %dma_wait3A_613 = tpu.memref_squeeze %dma_wait3A_612 : memref<1x201x128xf32, #tpu.memory_space<hbm>> -> memref<201x128xf32, #tpu.memory_space<hbm>>
        %dma_wait3A_614 = arith.constant 201 : i32
        %dma_wait3A_615 = arith.constant 0 : i32
        %dma_wait3A_616 = tpu.memref_slice %arg14[%dma_wait3A_614, %dma_wait3A_615] : memref<402x128xf32, #tpu.memory_space<vmem>> -> memref<201x128xf32, #tpu.memory_space<vmem>>
        tpu.wait_dma2 semaphore(%arg26 : memref<!tpu.dma_semaphore, #tpu.memory_space<semaphore_mem>>) src(%dma_wait3A_616 : memref<201x128xf32, #tpu.memory_space<vmem>>) dst(%dma_wait3A_613 : memref<201x128xf32, #tpu.memory_space<hbm>>)
      } else {
      }
      %add3A_296 = arith.addi %mul3A_2, %add3A_287 : i32
      %dma_wait3A_297 = arith.constant 0 : i32
      %dma_wait3A_298 = tpu.memref_slice %arg3[%add3A_296, %dma_wait3A_297] : memref<2048x402xi32, #tpu.memory_space<hbm>> -> memref<1x402xi32, #tpu.memory_space<hbm>>
      %dma_wait3A_299 = tpu.memref_squeeze %dma_wait3A_298 : memref<1x402xi32, #tpu.memory_space<hbm>> -> memref<402xi32, #tpu.memory_space<hbm>>
      %dma_wait3A_300 = arith.constant 0 : i32
      %dma_wait3A_301 = tpu.memref_slice %arg3[%add3A_296, %dma_wait3A_300] : memref<2048x402xi32, #tpu.memory_space<hbm>> -> memref<1x402xi32, #tpu.memory_space<hbm>>
      %dma_wait3A_302 = tpu.memref_squeeze %dma_wait3A_301 : memref<1x402xi32, #tpu.memory_space<hbm>> -> memref<402xi32, #tpu.memory_space<hbm>>
      tpu.wait_dma2 semaphore(%arg18 : memref<!tpu.dma_semaphore, #tpu.memory_space<semaphore_mem>>) src(%dma_wait3A_302 : memref<402xi32, #tpu.memory_space<hbm>>) dst(%arg8 : memref<402xi32, #tpu.memory_space<vmem>>)
      %dma_start3A_303 = arith.constant 0 : i32
      %dma_start3A_304 = arith.constant 0 : i32
      %dma_start3A_305 = tpu.memref_slice %arg2[%dma_start3A_303, %dma_start3A_304] : memref<208208x128xf32, #tpu.memory_space<hbm>> -> memref<208208x128xf32, #tpu.memory_space<hbm>>
      tpu.enqueue_indirect_dma source(%dma_start3A_305 : memref<208208x128xf32, #tpu.memory_space<hbm>>) target(%arg14 : memref<402x128xf32, #tpu.memory_space<vmem>>) offsets(%arg8 : memref<402xi32, #tpu.memory_space<vmem>>) semaphore(%arg24 : memref<!tpu.dma_semaphore, #tpu.memory_space<semaphore_mem>>)
      %dma_wait3A_306 = arith.constant 0 : i32
      %dma_wait3A_307 = arith.constant 0 : i32
      %dma_wait3A_308 = tpu.memref_slice %arg2[%dma_wait3A_306, %dma_wait3A_307] : memref<208208x128xf32, #tpu.memory_space<hbm>> -> memref<208208x128xf32, #tpu.memory_space<hbm>>
      tpu.wait_indirect_dma semaphore(%arg24 : memref<!tpu.dma_semaphore, #tpu.memory_space<semaphore_mem>>) src(%dma_wait3A_308 : memref<208208x128xf32, #tpu.memory_space<hbm>>) dst(%arg14 : memref<402x128xf32, #tpu.memory_space<vmem>>)
      %add3A_309 = arith.constant 4 : i32
      %add3A_310 = arith.addi %add3A_287, %add3A_309 : i32
      %lt3A_311 = arith.constant 64 : i32
      %lt3A_312 = arith.cmpi slt, %add3A_310, %lt3A_311 : i32
      %convert_element_type3A_313 = arith.extui %lt3A_312 : i1 to i32
      %cond3A_314 = arith.constant 0 : i32
      %cond3A_315 = arith.cmpi ne, %convert_element_type3A_313, %cond3A_314 : i32
      scf.if %cond3A_315 {
        %add3A_586 = arith.addi %mul3A_2, %add3A_287 : i32
        %add3A_587 = arith.constant 4 : i32
        %add3A_588 = arith.addi %add3A_586, %add3A_587 : i32
        %dma_start3A_589 = arith.constant 0 : i32
        %dma_start3A_590 = tpu.memref_slice %arg3[%add3A_588, %dma_start3A_589] : memref<2048x402xi32, #tpu.memory_space<hbm>> -> memref<1x402xi32, #tpu.memory_space<hbm>>
        %dma_start3A_591 = tpu.memref_squeeze %dma_start3A_590 : memref<1x402xi32, #tpu.memory_space<hbm>> -> memref<402xi32, #tpu.memory_space<hbm>>
        %dma_start3A_592 = arith.constant 0 : i32
        %dma_start3A_593 = tpu.memref_slice %arg3[%add3A_588, %dma_start3A_592] : memref<2048x402xi32, #tpu.memory_space<hbm>> -> memref<1x402xi32, #tpu.memory_space<hbm>>
        %dma_start3A_594 = tpu.memref_squeeze %dma_start3A_593 : memref<1x402xi32, #tpu.memory_space<hbm>> -> memref<402xi32, #tpu.memory_space<hbm>>
        tpu.enqueue_dma source(%dma_start3A_594 : memref<402xi32, #tpu.memory_space<hbm>>) target(%arg12 : memref<402xi32, #tpu.memory_space<vmem>>) target_semaphore(%arg22 : memref<!tpu.dma_semaphore, #tpu.memory_space<semaphore_mem>>)
      } else {
      }
      %dma_start3A_316 = arith.constant 0 : i32
      %dma_start3A_317 = arith.constant 0 : i32
      %dma_start3A_318 = tpu.memref_slice %arg14[%dma_start3A_316, %dma_start3A_317] : memref<402x128xf32, #tpu.memory_space<vmem>> -> memref<201x128xf32, #tpu.memory_space<vmem>>
      %dma_start3A_319 = arith.constant 0 : i32
      %dma_start3A_320 = arith.constant 0 : i32
      %dma_start3A_321 = tpu.memref_slice %arg4[%mul3A_290, %dma_start3A_319, %dma_start3A_320] : memref<4096x201x128xf32, #tpu.memory_space<hbm>> -> memref<1x201x128xf32, #tpu.memory_space<hbm>>
      %dma_start3A_322 = tpu.memref_squeeze %dma_start3A_321 : memref<1x201x128xf32, #tpu.memory_space<hbm>> -> memref<201x128xf32, #tpu.memory_space<hbm>>
      %dma_start3A_323 = arith.constant 0 : i32
      %dma_start3A_324 = arith.constant 0 : i32
      %dma_start3A_325 = tpu.memref_slice %arg4[%mul3A_290, %dma_start3A_323, %dma_start3A_324] : memref<4096x201x128xf32, #tpu.memory_space<hbm>> -> memref<1x201x128xf32, #tpu.memory_space<hbm>>
      %dma_start3A_326 = tpu.memref_squeeze %dma_start3A_325 : memref<1x201x128xf32, #tpu.memory_space<hbm>> -> memref<201x128xf32, #tpu.memory_space<hbm>>
      %dma_start3A_327 = arith.constant 0 : i32
      %dma_start3A_328 = arith.constant 0 : i32
      %dma_start3A_329 = tpu.memref_slice %arg14[%dma_start3A_327, %dma_start3A_328] : memref<402x128xf32, #tpu.memory_space<vmem>> -> memref<201x128xf32, #tpu.memory_space<vmem>>
      tpu.enqueue_dma source(%dma_start3A_329 : memref<201x128xf32, #tpu.memory_space<vmem>>) target(%dma_start3A_326 : memref<201x128xf32, #tpu.memory_space<hbm>>) target_semaphore(%arg26 : memref<!tpu.dma_semaphore, #tpu.memory_space<semaphore_mem>>)
      %add3A_330 = arith.constant 1 : i32
      %add3A_331 = arith.addi %mul3A_290, %add3A_330 : i32
      %dma_start3A_332 = arith.constant 201 : i32
      %dma_start3A_333 = arith.constant 0 : i32
      %dma_start3A_334 = tpu.memref_slice %arg14[%dma_start3A_332, %dma_start3A_333] : memref<402x128xf32, #tpu.memory_space<vmem>> -> memref<201x128xf32, #tpu.memory_space<vmem>>
      %dma_start3A_335 = arith.constant 0 : i32
      %dma_start3A_336 = arith.constant 0 : i32
      %dma_start3A_337 = tpu.memref_slice %arg4[%add3A_331, %dma_start3A_335, %dma_start3A_336] : memref<4096x201x128xf32, #tpu.memory_space<hbm>> -> memref<1x201x128xf32, #tpu.memory_space<hbm>>
      %dma_start3A_338 = tpu.memref_squeeze %dma_start3A_337 : memref<1x201x128xf32, #tpu.memory_space<hbm>> -> memref<201x128xf32, #tpu.memory_space<hbm>>
      %dma_start3A_339 = arith.constant 0 : i32
      %dma_start3A_340 = arith.constant 0 : i32
      %dma_start3A_341 = tpu.memref_slice %arg4[%add3A_331, %dma_start3A_339, %dma_start3A_340] : memref<4096x201x128xf32, #tpu.memory_space<hbm>> -> memref<1x201x128xf32, #tpu.memory_space<hbm>>
      %dma_start3A_342 = tpu.memref_squeeze %dma_start3A_341 : memref<1x201x128xf32, #tpu.memory_space<hbm>> -> memref<201x128xf32, #tpu.memory_space<hbm>>
      %dma_start3A_343 = arith.constant 201 : i32
      %dma_start3A_344 = arith.constant 0 : i32
      %dma_start3A_345 = tpu.memref_slice %arg14[%dma_start3A_343, %dma_start3A_344] : memref<402x128xf32, #tpu.memory_space<vmem>> -> memref<201x128xf32, #tpu.memory_space<vmem>>
      tpu.enqueue_dma source(%dma_start3A_345 : memref<201x128xf32, #tpu.memory_space<vmem>>) target(%dma_start3A_342 : memref<201x128xf32, #tpu.memory_space<hbm>>) target_semaphore(%arg26 : memref<!tpu.dma_semaphore, #tpu.memory_space<semaphore_mem>>)
      %add3A_346 = arith.constant 4 : i32
      %add3A_347 = arith.addi %add3A_109, %add3A_346 : i32
      %add3A_348 = arith.addi %mul3A_2, %add3A_347 : i32
      %mul3A_349 = arith.constant 2 : i32
      %mul3A_350 = arith.muli %add3A_348, %mul3A_349 : i32
      %ge3A_351 = arith.constant 2 : i32
      %ge3A_352 = arith.cmpi sge, %add3A_347, %ge3A_351 : i32
      %convert_element_type3A_353 = arith.extui %ge3A_352 : i1 to i32
      %cond3A_354 = arith.constant 0 : i32
      %cond3A_355 = arith.cmpi ne, %convert_element_type3A_353, %cond3A_354 : i32
      scf.if %cond3A_355 {
        %sub3A = arith.constant 4 : i32
        %sub3A_586 = arith.subi %mul3A_350, %sub3A : i32
        %dma_wait3A_587 = arith.constant 0 : i32
        %dma_wait3A_588 = arith.constant 0 : i32
        %dma_wait3A_589 = tpu.memref_slice %arg13[%dma_wait3A_587, %dma_wait3A_588] : memref<402x128xf32, #tpu.memory_space<vmem>> -> memref<201x128xf32, #tpu.memory_space<vmem>>
        %dma_wait3A_590 = arith.constant 0 : i32
        %dma_wait3A_591 = arith.constant 0 : i32
        %dma_wait3A_592 = tpu.memref_slice %arg4[%sub3A_586, %dma_wait3A_590, %dma_wait3A_591] : memref<4096x201x128xf32, #tpu.memory_space<hbm>> -> memref<1x201x128xf32, #tpu.memory_space<hbm>>
        %dma_wait3A_593 = tpu.memref_squeeze %dma_wait3A_592 : memref<1x201x128xf32, #tpu.memory_space<hbm>> -> memref<201x128xf32, #tpu.memory_space<hbm>>
        %dma_wait3A_594 = arith.constant 0 : i32
        %dma_wait3A_595 = arith.constant 0 : i32
        %dma_wait3A_596 = tpu.memref_slice %arg4[%sub3A_586, %dma_wait3A_594, %dma_wait3A_595] : memref<4096x201x128xf32, #tpu.memory_space<hbm>> -> memref<1x201x128xf32, #tpu.memory_space<hbm>>
        %dma_wait3A_597 = tpu.memref_squeeze %dma_wait3A_596 : memref<1x201x128xf32, #tpu.memory_space<hbm>> -> memref<201x128xf32, #tpu.memory_space<hbm>>
        %dma_wait3A_598 = arith.constant 0 : i32
        %dma_wait3A_599 = arith.constant 0 : i32
        %dma_wait3A_600 = tpu.memref_slice %arg13[%dma_wait3A_598, %dma_wait3A_599] : memref<402x128xf32, #tpu.memory_space<vmem>> -> memref<201x128xf32, #tpu.memory_space<vmem>>
        tpu.wait_dma2 semaphore(%arg25 : memref<!tpu.dma_semaphore, #tpu.memory_space<semaphore_mem>>) src(%dma_wait3A_600 : memref<201x128xf32, #tpu.memory_space<vmem>>) dst(%dma_wait3A_597 : memref<201x128xf32, #tpu.memory_space<hbm>>)
        %sub3A_601 = arith.constant 3 : i32
        %sub3A_602 = arith.subi %mul3A_350, %sub3A_601 : i32
        %dma_wait3A_603 = arith.constant 201 : i32
        %dma_wait3A_604 = arith.constant 0 : i32
        %dma_wait3A_605 = tpu.memref_slice %arg13[%dma_wait3A_603, %dma_wait3A_604] : memref<402x128xf32, #tpu.memory_space<vmem>> -> memref<201x128xf32, #tpu.memory_space<vmem>>
        %dma_wait3A_606 = arith.constant 0 : i32
        %dma_wait3A_607 = arith.constant 0 : i32
        %dma_wait3A_608 = tpu.memref_slice %arg4[%sub3A_602, %dma_wait3A_606, %dma_wait3A_607] : memref<4096x201x128xf32, #tpu.memory_space<hbm>> -> memref<1x201x128xf32, #tpu.memory_space<hbm>>
        %dma_wait3A_609 = tpu.memref_squeeze %dma_wait3A_608 : memref<1x201x128xf32, #tpu.memory_space<hbm>> -> memref<201x128xf32, #tpu.memory_space<hbm>>
        %dma_wait3A_610 = arith.constant 0 : i32
        %dma_wait3A_611 = arith.constant 0 : i32
        %dma_wait3A_612 = tpu.memref_slice %arg4[%sub3A_602, %dma_wait3A_610, %dma_wait3A_611] : memref<4096x201x128xf32, #tpu.memory_space<hbm>> -> memref<1x201x128xf32, #tpu.memory_space<hbm>>
        %dma_wait3A_613 = tpu.memref_squeeze %dma_wait3A_612 : memref<1x201x128xf32, #tpu.memory_space<hbm>> -> memref<201x128xf32, #tpu.memory_space<hbm>>
        %dma_wait3A_614 = arith.constant 201 : i32
        %dma_wait3A_615 = arith.constant 0 : i32
        %dma_wait3A_616 = tpu.memref_slice %arg13[%dma_wait3A_614, %dma_wait3A_615] : memref<402x128xf32, #tpu.memory_space<vmem>> -> memref<201x128xf32, #tpu.memory_space<vmem>>
        tpu.wait_dma2 semaphore(%arg25 : memref<!tpu.dma_semaphore, #tpu.memory_space<semaphore_mem>>) src(%dma_wait3A_616 : memref<201x128xf32, #tpu.memory_space<vmem>>) dst(%dma_wait3A_613 : memref<201x128xf32, #tpu.memory_space<hbm>>)
      } else {
      }
      %add3A_356 = arith.addi %mul3A_2, %add3A_347 : i32
      %dma_wait3A_357 = arith.constant 0 : i32
      %dma_wait3A_358 = tpu.memref_slice %arg3[%add3A_356, %dma_wait3A_357] : memref<2048x402xi32, #tpu.memory_space<hbm>> -> memref<1x402xi32, #tpu.memory_space<hbm>>
      %dma_wait3A_359 = tpu.memref_squeeze %dma_wait3A_358 : memref<1x402xi32, #tpu.memory_space<hbm>> -> memref<402xi32, #tpu.memory_space<hbm>>
      %dma_wait3A_360 = arith.constant 0 : i32
      %dma_wait3A_361 = tpu.memref_slice %arg3[%add3A_356, %dma_wait3A_360] : memref<2048x402xi32, #tpu.memory_space<hbm>> -> memref<1x402xi32, #tpu.memory_space<hbm>>
      %dma_wait3A_362 = tpu.memref_squeeze %dma_wait3A_361 : memref<1x402xi32, #tpu.memory_space<hbm>> -> memref<402xi32, #tpu.memory_space<hbm>>
      tpu.wait_dma2 semaphore(%arg19 : memref<!tpu.dma_semaphore, #tpu.memory_space<semaphore_mem>>) src(%dma_wait3A_362 : memref<402xi32, #tpu.memory_space<hbm>>) dst(%arg9 : memref<402xi32, #tpu.memory_space<vmem>>)
      %dma_start3A_363 = arith.constant 0 : i32
      %dma_start3A_364 = arith.constant 0 : i32
      %dma_start3A_365 = tpu.memref_slice %arg2[%dma_start3A_363, %dma_start3A_364] : memref<208208x128xf32, #tpu.memory_space<hbm>> -> memref<208208x128xf32, #tpu.memory_space<hbm>>
      tpu.enqueue_indirect_dma source(%dma_start3A_365 : memref<208208x128xf32, #tpu.memory_space<hbm>>) target(%arg13 : memref<402x128xf32, #tpu.memory_space<vmem>>) offsets(%arg9 : memref<402xi32, #tpu.memory_space<vmem>>) semaphore(%arg23 : memref<!tpu.dma_semaphore, #tpu.memory_space<semaphore_mem>>)
      %dma_wait3A_366 = arith.constant 0 : i32
      %dma_wait3A_367 = arith.constant 0 : i32
      %dma_wait3A_368 = tpu.memref_slice %arg2[%dma_wait3A_366, %dma_wait3A_367] : memref<208208x128xf32, #tpu.memory_space<hbm>> -> memref<208208x128xf32, #tpu.memory_space<hbm>>
      tpu.wait_indirect_dma semaphore(%arg23 : memref<!tpu.dma_semaphore, #tpu.memory_space<semaphore_mem>>) src(%dma_wait3A_368 : memref<208208x128xf32, #tpu.memory_space<hbm>>) dst(%arg13 : memref<402x128xf32, #tpu.memory_space<vmem>>)
      %add3A_369 = arith.constant 4 : i32
      %add3A_370 = arith.addi %add3A_347, %add3A_369 : i32
      %lt3A_371 = arith.constant 64 : i32
      %lt3A_372 = arith.cmpi slt, %add3A_370, %lt3A_371 : i32
      %convert_element_type3A_373 = arith.extui %lt3A_372 : i1 to i32
      %cond3A_374 = arith.constant 0 : i32
      %cond3A_375 = arith.cmpi ne, %convert_element_type3A_373, %cond3A_374 : i32
      scf.if %cond3A_375 {
        %add3A_586 = arith.addi %mul3A_2, %add3A_347 : i32
        %add3A_587 = arith.constant 4 : i32
        %add3A_588 = arith.addi %add3A_586, %add3A_587 : i32
        %dma_start3A_589 = arith.constant 0 : i32
        %dma_start3A_590 = tpu.memref_slice %arg3[%add3A_588, %dma_start3A_589] : memref<2048x402xi32, #tpu.memory_space<hbm>> -> memref<1x402xi32, #tpu.memory_space<hbm>>
        %dma_start3A_591 = tpu.memref_squeeze %dma_start3A_590 : memref<1x402xi32, #tpu.memory_space<hbm>> -> memref<402xi32, #tpu.memory_space<hbm>>
        %dma_start3A_592 = arith.constant 0 : i32
        %dma_start3A_593 = tpu.memref_slice %arg3[%add3A_588, %dma_start3A_592] : memref<2048x402xi32, #tpu.memory_space<hbm>> -> memref<1x402xi32, #tpu.memory_space<hbm>>
        %dma_start3A_594 = tpu.memref_squeeze %dma_start3A_593 : memref<1x402xi32, #tpu.memory_space<hbm>> -> memref<402xi32, #tpu.memory_space<hbm>>
        tpu.enqueue_dma source(%dma_start3A_594 : memref<402xi32, #tpu.memory_space<hbm>>) target(%arg5 : memref<402xi32, #tpu.memory_space<vmem>>) target_semaphore(%arg15 : memref<!tpu.dma_semaphore, #tpu.memory_space<semaphore_mem>>)
      } else {
      }
      %dma_start3A_376 = arith.constant 0 : i32
      %dma_start3A_377 = arith.constant 0 : i32
      %dma_start3A_378 = tpu.memref_slice %arg13[%dma_start3A_376, %dma_start3A_377] : memref<402x128xf32, #tpu.memory_space<vmem>> -> memref<201x128xf32, #tpu.memory_space<vmem>>
      %dma_start3A_379 = arith.constant 0 : i32
      %dma_start3A_380 = arith.constant 0 : i32
      %dma_start3A_381 = tpu.memref_slice %arg4[%mul3A_350, %dma_start3A_379, %dma_start3A_380] : memref<4096x201x128xf32, #tpu.memory_space<hbm>> -> memref<1x201x128xf32, #tpu.memory_space<hbm>>
      %dma_start3A_382 = tpu.memref_squeeze %dma_start3A_381 : memref<1x201x128xf32, #tpu.memory_space<hbm>> -> memref<201x128xf32, #tpu.memory_space<hbm>>
      %dma_start3A_383 = arith.constant 0 : i32
      %dma_start3A_384 = arith.constant 0 : i32
      %dma_start3A_385 = tpu.memref_slice %arg4[%mul3A_350, %dma_start3A_383, %dma_start3A_384] : memref<4096x201x128xf32, #tpu.memory_space<hbm>> -> memref<1x201x128xf32, #tpu.memory_space<hbm>>
      %dma_start3A_386 = tpu.memref_squeeze %dma_start3A_385 : memref<1x201x128xf32, #tpu.memory_space<hbm>> -> memref<201x128xf32, #tpu.memory_space<hbm>>
      %dma_start3A_387 = arith.constant 0 : i32
      %dma_start3A_388 = arith.constant 0 : i32
      %dma_start3A_389 = tpu.memref_slice %arg13[%dma_start3A_387, %dma_start3A_388] : memref<402x128xf32, #tpu.memory_space<vmem>> -> memref<201x128xf32, #tpu.memory_space<vmem>>
      tpu.enqueue_dma source(%dma_start3A_389 : memref<201x128xf32, #tpu.memory_space<vmem>>) target(%dma_start3A_386 : memref<201x128xf32, #tpu.memory_space<hbm>>) target_semaphore(%arg25 : memref<!tpu.dma_semaphore, #tpu.memory_space<semaphore_mem>>)
      %add3A_390 = arith.constant 1 : i32
      %add3A_391 = arith.addi %mul3A_350, %add3A_390 : i32
      %dma_start3A_392 = arith.constant 201 : i32
      %dma_start3A_393 = arith.constant 0 : i32
      %dma_start3A_394 = tpu.memref_slice %arg13[%dma_start3A_392, %dma_start3A_393] : memref<402x128xf32, #tpu.memory_space<vmem>> -> memref<201x128xf32, #tpu.memory_space<vmem>>
      %dma_start3A_395 = arith.constant 0 : i32
      %dma_start3A_396 = arith.constant 0 : i32
      %dma_start3A_397 = tpu.memref_slice %arg4[%add3A_391, %dma_start3A_395, %dma_start3A_396] : memref<4096x201x128xf32, #tpu.memory_space<hbm>> -> memref<1x201x128xf32, #tpu.memory_space<hbm>>
      %dma_start3A_398 = tpu.memref_squeeze %dma_start3A_397 : memref<1x201x128xf32, #tpu.memory_space<hbm>> -> memref<201x128xf32, #tpu.memory_space<hbm>>
      %dma_start3A_399 = arith.constant 0 : i32
      %dma_start3A_400 = arith.constant 0 : i32
      %dma_start3A_401 = tpu.memref_slice %arg4[%add3A_391, %dma_start3A_399, %dma_start3A_400] : memref<4096x201x128xf32, #tpu.memory_space<hbm>> -> memref<1x201x128xf32, #tpu.memory_space<hbm>>
      %dma_start3A_402 = tpu.memref_squeeze %dma_start3A_401 : memref<1x201x128xf32, #tpu.memory_space<hbm>> -> memref<201x128xf32, #tpu.memory_space<hbm>>
      %dma_start3A_403 = arith.constant 201 : i32
      %dma_start3A_404 = arith.constant 0 : i32
      %dma_start3A_405 = tpu.memref_slice %arg13[%dma_start3A_403, %dma_start3A_404] : memref<402x128xf32, #tpu.memory_space<vmem>> -> memref<201x128xf32, #tpu.memory_space<vmem>>
      tpu.enqueue_dma source(%dma_start3A_405 : memref<201x128xf32, #tpu.memory_space<vmem>>) target(%dma_start3A_402 : memref<201x128xf32, #tpu.memory_space<hbm>>) target_semaphore(%arg25 : memref<!tpu.dma_semaphore, #tpu.memory_space<semaphore_mem>>)
      %add3A_406 = arith.constant 5 : i32
      %add3A_407 = arith.addi %add3A_109, %add3A_406 : i32
      %add3A_408 = arith.addi %mul3A_2, %add3A_407 : i32
      %mul3A_409 = arith.constant 2 : i32
      %mul3A_410 = arith.muli %add3A_408, %mul3A_409 : i32
      %ge3A_411 = arith.constant 2 : i32
      %ge3A_412 = arith.cmpi sge, %add3A_407, %ge3A_411 : i32
      %convert_element_type3A_413 = arith.extui %ge3A_412 : i1 to i32
      %cond3A_414 = arith.constant 0 : i32
      %cond3A_415 = arith.cmpi ne, %convert_element_type3A_413, %cond3A_414 : i32
      scf.if %cond3A_415 {
        %sub3A = arith.constant 4 : i32
        %sub3A_586 = arith.subi %mul3A_410, %sub3A : i32
        %dma_wait3A_587 = arith.constant 0 : i32
        %dma_wait3A_588 = arith.constant 0 : i32
        %dma_wait3A_589 = tpu.memref_slice %arg14[%dma_wait3A_587, %dma_wait3A_588] : memref<402x128xf32, #tpu.memory_space<vmem>> -> memref<201x128xf32, #tpu.memory_space<vmem>>
        %dma_wait3A_590 = arith.constant 0 : i32
        %dma_wait3A_591 = arith.constant 0 : i32
        %dma_wait3A_592 = tpu.memref_slice %arg4[%sub3A_586, %dma_wait3A_590, %dma_wait3A_591] : memref<4096x201x128xf32, #tpu.memory_space<hbm>> -> memref<1x201x128xf32, #tpu.memory_space<hbm>>
        %dma_wait3A_593 = tpu.memref_squeeze %dma_wait3A_592 : memref<1x201x128xf32, #tpu.memory_space<hbm>> -> memref<201x128xf32, #tpu.memory_space<hbm>>
        %dma_wait3A_594 = arith.constant 0 : i32
        %dma_wait3A_595 = arith.constant 0 : i32
        %dma_wait3A_596 = tpu.memref_slice %arg4[%sub3A_586, %dma_wait3A_594, %dma_wait3A_595] : memref<4096x201x128xf32, #tpu.memory_space<hbm>> -> memref<1x201x128xf32, #tpu.memory_space<hbm>>
        %dma_wait3A_597 = tpu.memref_squeeze %dma_wait3A_596 : memref<1x201x128xf32, #tpu.memory_space<hbm>> -> memref<201x128xf32, #tpu.memory_space<hbm>>
        %dma_wait3A_598 = arith.constant 0 : i32
        %dma_wait3A_599 = arith.constant 0 : i32
        %dma_wait3A_600 = tpu.memref_slice %arg14[%dma_wait3A_598, %dma_wait3A_599] : memref<402x128xf32, #tpu.memory_space<vmem>> -> memref<201x128xf32, #tpu.memory_space<vmem>>
        tpu.wait_dma2 semaphore(%arg26 : memref<!tpu.dma_semaphore, #tpu.memory_space<semaphore_mem>>) src(%dma_wait3A_600 : memref<201x128xf32, #tpu.memory_space<vmem>>) dst(%dma_wait3A_597 : memref<201x128xf32, #tpu.memory_space<hbm>>)
        %sub3A_601 = arith.constant 3 : i32
        %sub3A_602 = arith.subi %mul3A_410, %sub3A_601 : i32
        %dma_wait3A_603 = arith.constant 201 : i32
        %dma_wait3A_604 = arith.constant 0 : i32
        %dma_wait3A_605 = tpu.memref_slice %arg14[%dma_wait3A_603, %dma_wait3A_604] : memref<402x128xf32, #tpu.memory_space<vmem>> -> memref<201x128xf32, #tpu.memory_space<vmem>>
        %dma_wait3A_606 = arith.constant 0 : i32
        %dma_wait3A_607 = arith.constant 0 : i32
        %dma_wait3A_608 = tpu.memref_slice %arg4[%sub3A_602, %dma_wait3A_606, %dma_wait3A_607] : memref<4096x201x128xf32, #tpu.memory_space<hbm>> -> memref<1x201x128xf32, #tpu.memory_space<hbm>>
        %dma_wait3A_609 = tpu.memref_squeeze %dma_wait3A_608 : memref<1x201x128xf32, #tpu.memory_space<hbm>> -> memref<201x128xf32, #tpu.memory_space<hbm>>
        %dma_wait3A_610 = arith.constant 0 : i32
        %dma_wait3A_611 = arith.constant 0 : i32
        %dma_wait3A_612 = tpu.memref_slice %arg4[%sub3A_602, %dma_wait3A_610, %dma_wait3A_611] : memref<4096x201x128xf32, #tpu.memory_space<hbm>> -> memref<1x201x128xf32, #tpu.memory_space<hbm>>
        %dma_wait3A_613 = tpu.memref_squeeze %dma_wait3A_612 : memref<1x201x128xf32, #tpu.memory_space<hbm>> -> memref<201x128xf32, #tpu.memory_space<hbm>>
        %dma_wait3A_614 = arith.constant 201 : i32
        %dma_wait3A_615 = arith.constant 0 : i32
        %dma_wait3A_616 = tpu.memref_slice %arg14[%dma_wait3A_614, %dma_wait3A_615] : memref<402x128xf32, #tpu.memory_space<vmem>> -> memref<201x128xf32, #tpu.memory_space<vmem>>
        tpu.wait_dma2 semaphore(%arg26 : memref<!tpu.dma_semaphore, #tpu.memory_space<semaphore_mem>>) src(%dma_wait3A_616 : memref<201x128xf32, #tpu.memory_space<vmem>>) dst(%dma_wait3A_613 : memref<201x128xf32, #tpu.memory_space<hbm>>)
      } else {
      }
      %add3A_416 = arith.addi %mul3A_2, %add3A_407 : i32
      %dma_wait3A_417 = arith.constant 0 : i32
      %dma_wait3A_418 = tpu.memref_slice %arg3[%add3A_416, %dma_wait3A_417] : memref<2048x402xi32, #tpu.memory_space<hbm>> -> memref<1x402xi32, #tpu.memory_space<hbm>>
      %dma_wait3A_419 = tpu.memref_squeeze %dma_wait3A_418 : memref<1x402xi32, #tpu.memory_space<hbm>> -> memref<402xi32, #tpu.memory_space<hbm>>
      %dma_wait3A_420 = arith.constant 0 : i32
      %dma_wait3A_421 = tpu.memref_slice %arg3[%add3A_416, %dma_wait3A_420] : memref<2048x402xi32, #tpu.memory_space<hbm>> -> memref<1x402xi32, #tpu.memory_space<hbm>>
      %dma_wait3A_422 = tpu.memref_squeeze %dma_wait3A_421 : memref<1x402xi32, #tpu.memory_space<hbm>> -> memref<402xi32, #tpu.memory_space<hbm>>
      tpu.wait_dma2 semaphore(%arg20 : memref<!tpu.dma_semaphore, #tpu.memory_space<semaphore_mem>>) src(%dma_wait3A_422 : memref<402xi32, #tpu.memory_space<hbm>>) dst(%arg10 : memref<402xi32, #tpu.memory_space<vmem>>)
      %dma_start3A_423 = arith.constant 0 : i32
      %dma_start3A_424 = arith.constant 0 : i32
      %dma_start3A_425 = tpu.memref_slice %arg2[%dma_start3A_423, %dma_start3A_424] : memref<208208x128xf32, #tpu.memory_space<hbm>> -> memref<208208x128xf32, #tpu.memory_space<hbm>>
      tpu.enqueue_indirect_dma source(%dma_start3A_425 : memref<208208x128xf32, #tpu.memory_space<hbm>>) target(%arg14 : memref<402x128xf32, #tpu.memory_space<vmem>>) offsets(%arg10 : memref<402xi32, #tpu.memory_space<vmem>>) semaphore(%arg24 : memref<!tpu.dma_semaphore, #tpu.memory_space<semaphore_mem>>)
      %dma_wait3A_426 = arith.constant 0 : i32
      %dma_wait3A_427 = arith.constant 0 : i32
      %dma_wait3A_428 = tpu.memref_slice %arg2[%dma_wait3A_426, %dma_wait3A_427] : memref<208208x128xf32, #tpu.memory_space<hbm>> -> memref<208208x128xf32, #tpu.memory_space<hbm>>
      tpu.wait_indirect_dma semaphore(%arg24 : memref<!tpu.dma_semaphore, #tpu.memory_space<semaphore_mem>>) src(%dma_wait3A_428 : memref<208208x128xf32, #tpu.memory_space<hbm>>) dst(%arg14 : memref<402x128xf32, #tpu.memory_space<vmem>>)
      %add3A_429 = arith.constant 4 : i32
      %add3A_430 = arith.addi %add3A_407, %add3A_429 : i32
      %lt3A_431 = arith.constant 64 : i32
      %lt3A_432 = arith.cmpi slt, %add3A_430, %lt3A_431 : i32
      %convert_element_type3A_433 = arith.extui %lt3A_432 : i1 to i32
      %cond3A_434 = arith.constant 0 : i32
      %cond3A_435 = arith.cmpi ne, %convert_element_type3A_433, %cond3A_434 : i32
      scf.if %cond3A_435 {
        %add3A_586 = arith.addi %mul3A_2, %add3A_407 : i32
        %add3A_587 = arith.constant 4 : i32
        %add3A_588 = arith.addi %add3A_586, %add3A_587 : i32
        %dma_start3A_589 = arith.constant 0 : i32
        %dma_start3A_590 = tpu.memref_slice %arg3[%add3A_588, %dma_start3A_589] : memref<2048x402xi32, #tpu.memory_space<hbm>> -> memref<1x402xi32, #tpu.memory_space<hbm>>
        %dma_start3A_591 = tpu.memref_squeeze %dma_start3A_590 : memref<1x402xi32, #tpu.memory_space<hbm>> -> memref<402xi32, #tpu.memory_space<hbm>>
        %dma_start3A_592 = arith.constant 0 : i32
        %dma_start3A_593 = tpu.memref_slice %arg3[%add3A_588, %dma_start3A_592] : memref<2048x402xi32, #tpu.memory_space<hbm>> -> memref<1x402xi32, #tpu.memory_space<hbm>>
        %dma_start3A_594 = tpu.memref_squeeze %dma_start3A_593 : memref<1x402xi32, #tpu.memory_space<hbm>> -> memref<402xi32, #tpu.memory_space<hbm>>
        tpu.enqueue_dma source(%dma_start3A_594 : memref<402xi32, #tpu.memory_space<hbm>>) target(%arg6 : memref<402xi32, #tpu.memory_space<vmem>>) target_semaphore(%arg16 : memref<!tpu.dma_semaphore, #tpu.memory_space<semaphore_mem>>)
      } else {
      }
      %dma_start3A_436 = arith.constant 0 : i32
      %dma_start3A_437 = arith.constant 0 : i32
      %dma_start3A_438 = tpu.memref_slice %arg14[%dma_start3A_436, %dma_start3A_437] : memref<402x128xf32, #tpu.memory_space<vmem>> -> memref<201x128xf32, #tpu.memory_space<vmem>>
      %dma_start3A_439 = arith.constant 0 : i32
      %dma_start3A_440 = arith.constant 0 : i32
      %dma_start3A_441 = tpu.memref_slice %arg4[%mul3A_410, %dma_start3A_439, %dma_start3A_440] : memref<4096x201x128xf32, #tpu.memory_space<hbm>> -> memref<1x201x128xf32, #tpu.memory_space<hbm>>
      %dma_start3A_442 = tpu.memref_squeeze %dma_start3A_441 : memref<1x201x128xf32, #tpu.memory_space<hbm>> -> memref<201x128xf32, #tpu.memory_space<hbm>>
      %dma_start3A_443 = arith.constant 0 : i32
      %dma_start3A_444 = arith.constant 0 : i32
      %dma_start3A_445 = tpu.memref_slice %arg4[%mul3A_410, %dma_start3A_443, %dma_start3A_444] : memref<4096x201x128xf32, #tpu.memory_space<hbm>> -> memref<1x201x128xf32, #tpu.memory_space<hbm>>
      %dma_start3A_446 = tpu.memref_squeeze %dma_start3A_445 : memref<1x201x128xf32, #tpu.memory_space<hbm>> -> memref<201x128xf32, #tpu.memory_space<hbm>>
      %dma_start3A_447 = arith.constant 0 : i32
      %dma_start3A_448 = arith.constant 0 : i32
      %dma_start3A_449 = tpu.memref_slice %arg14[%dma_start3A_447, %dma_start3A_448] : memref<402x128xf32, #tpu.memory_space<vmem>> -> memref<201x128xf32, #tpu.memory_space<vmem>>
      tpu.enqueue_dma source(%dma_start3A_449 : memref<201x128xf32, #tpu.memory_space<vmem>>) target(%dma_start3A_446 : memref<201x128xf32, #tpu.memory_space<hbm>>) target_semaphore(%arg26 : memref<!tpu.dma_semaphore, #tpu.memory_space<semaphore_mem>>)
      %add3A_450 = arith.constant 1 : i32
      %add3A_451 = arith.addi %mul3A_410, %add3A_450 : i32
      %dma_start3A_452 = arith.constant 201 : i32
      %dma_start3A_453 = arith.constant 0 : i32
      %dma_start3A_454 = tpu.memref_slice %arg14[%dma_start3A_452, %dma_start3A_453] : memref<402x128xf32, #tpu.memory_space<vmem>> -> memref<201x128xf32, #tpu.memory_space<vmem>>
      %dma_start3A_455 = arith.constant 0 : i32
      %dma_start3A_456 = arith.constant 0 : i32
      %dma_start3A_457 = tpu.memref_slice %arg4[%add3A_451, %dma_start3A_455, %dma_start3A_456] : memref<4096x201x128xf32, #tpu.memory_space<hbm>> -> memref<1x201x128xf32, #tpu.memory_space<hbm>>
      %dma_start3A_458 = tpu.memref_squeeze %dma_start3A_457 : memref<1x201x128xf32, #tpu.memory_space<hbm>> -> memref<201x128xf32, #tpu.memory_space<hbm>>
      %dma_start3A_459 = arith.constant 0 : i32
      %dma_start3A_460 = arith.constant 0 : i32
      %dma_start3A_461 = tpu.memref_slice %arg4[%add3A_451, %dma_start3A_459, %dma_start3A_460] : memref<4096x201x128xf32, #tpu.memory_space<hbm>> -> memref<1x201x128xf32, #tpu.memory_space<hbm>>
      %dma_start3A_462 = tpu.memref_squeeze %dma_start3A_461 : memref<1x201x128xf32, #tpu.memory_space<hbm>> -> memref<201x128xf32, #tpu.memory_space<hbm>>
      %dma_start3A_463 = arith.constant 201 : i32
      %dma_start3A_464 = arith.constant 0 : i32
      %dma_start3A_465 = tpu.memref_slice %arg14[%dma_start3A_463, %dma_start3A_464] : memref<402x128xf32, #tpu.memory_space<vmem>> -> memref<201x128xf32, #tpu.memory_space<vmem>>
      tpu.enqueue_dma source(%dma_start3A_465 : memref<201x128xf32, #tpu.memory_space<vmem>>) target(%dma_start3A_462 : memref<201x128xf32, #tpu.memory_space<hbm>>) target_semaphore(%arg26 : memref<!tpu.dma_semaphore, #tpu.memory_space<semaphore_mem>>)
      %add3A_466 = arith.constant 6 : i32
      %add3A_467 = arith.addi %add3A_109, %add3A_466 : i32
      %add3A_468 = arith.addi %mul3A_2, %add3A_467 : i32
      %mul3A_469 = arith.constant 2 : i32
      %mul3A_470 = arith.muli %add3A_468, %mul3A_469 : i32
      %ge3A_471 = arith.constant 2 : i32
      %ge3A_472 = arith.cmpi sge, %add3A_467, %ge3A_471 : i32
      %convert_element_type3A_473 = arith.extui %ge3A_472 : i1 to i32
      %cond3A_474 = arith.constant 0 : i32
      %cond3A_475 = arith.cmpi ne, %convert_element_type3A_473, %cond3A_474 : i32
      scf.if %cond3A_475 {
        %sub3A = arith.constant 4 : i32
        %sub3A_586 = arith.subi %mul3A_470, %sub3A : i32
        %dma_wait3A_587 = arith.constant 0 : i32
        %dma_wait3A_588 = arith.constant 0 : i32
        %dma_wait3A_589 = tpu.memref_slice %arg13[%dma_wait3A_587, %dma_wait3A_588] : memref<402x128xf32, #tpu.memory_space<vmem>> -> memref<201x128xf32, #tpu.memory_space<vmem>>
        %dma_wait3A_590 = arith.constant 0 : i32
        %dma_wait3A_591 = arith.constant 0 : i32
        %dma_wait3A_592 = tpu.memref_slice %arg4[%sub3A_586, %dma_wait3A_590, %dma_wait3A_591] : memref<4096x201x128xf32, #tpu.memory_space<hbm>> -> memref<1x201x128xf32, #tpu.memory_space<hbm>>
        %dma_wait3A_593 = tpu.memref_squeeze %dma_wait3A_592 : memref<1x201x128xf32, #tpu.memory_space<hbm>> -> memref<201x128xf32, #tpu.memory_space<hbm>>
        %dma_wait3A_594 = arith.constant 0 : i32
        %dma_wait3A_595 = arith.constant 0 : i32
        %dma_wait3A_596 = tpu.memref_slice %arg4[%sub3A_586, %dma_wait3A_594, %dma_wait3A_595] : memref<4096x201x128xf32, #tpu.memory_space<hbm>> -> memref<1x201x128xf32, #tpu.memory_space<hbm>>
        %dma_wait3A_597 = tpu.memref_squeeze %dma_wait3A_596 : memref<1x201x128xf32, #tpu.memory_space<hbm>> -> memref<201x128xf32, #tpu.memory_space<hbm>>
        %dma_wait3A_598 = arith.constant 0 : i32
        %dma_wait3A_599 = arith.constant 0 : i32
        %dma_wait3A_600 = tpu.memref_slice %arg13[%dma_wait3A_598, %dma_wait3A_599] : memref<402x128xf32, #tpu.memory_space<vmem>> -> memref<201x128xf32, #tpu.memory_space<vmem>>
        tpu.wait_dma2 semaphore(%arg25 : memref<!tpu.dma_semaphore, #tpu.memory_space<semaphore_mem>>) src(%dma_wait3A_600 : memref<201x128xf32, #tpu.memory_space<vmem>>) dst(%dma_wait3A_597 : memref<201x128xf32, #tpu.memory_space<hbm>>)
        %sub3A_601 = arith.constant 3 : i32
        %sub3A_602 = arith.subi %mul3A_470, %sub3A_601 : i32
        %dma_wait3A_603 = arith.constant 201 : i32
        %dma_wait3A_604 = arith.constant 0 : i32
        %dma_wait3A_605 = tpu.memref_slice %arg13[%dma_wait3A_603, %dma_wait3A_604] : memref<402x128xf32, #tpu.memory_space<vmem>> -> memref<201x128xf32, #tpu.memory_space<vmem>>
        %dma_wait3A_606 = arith.constant 0 : i32
        %dma_wait3A_607 = arith.constant 0 : i32
        %dma_wait3A_608 = tpu.memref_slice %arg4[%sub3A_602, %dma_wait3A_606, %dma_wait3A_607] : memref<4096x201x128xf32, #tpu.memory_space<hbm>> -> memref<1x201x128xf32, #tpu.memory_space<hbm>>
        %dma_wait3A_609 = tpu.memref_squeeze %dma_wait3A_608 : memref<1x201x128xf32, #tpu.memory_space<hbm>> -> memref<201x128xf32, #tpu.memory_space<hbm>>
        %dma_wait3A_610 = arith.constant 0 : i32
        %dma_wait3A_611 = arith.constant 0 : i32
        %dma_wait3A_612 = tpu.memref_slice %arg4[%sub3A_602, %dma_wait3A_610, %dma_wait3A_611] : memref<4096x201x128xf32, #tpu.memory_space<hbm>> -> memref<1x201x128xf32, #tpu.memory_space<hbm>>
        %dma_wait3A_613 = tpu.memref_squeeze %dma_wait3A_612 : memref<1x201x128xf32, #tpu.memory_space<hbm>> -> memref<201x128xf32, #tpu.memory_space<hbm>>
        %dma_wait3A_614 = arith.constant 201 : i32
        %dma_wait3A_615 = arith.constant 0 : i32
        %dma_wait3A_616 = tpu.memref_slice %arg13[%dma_wait3A_614, %dma_wait3A_615] : memref<402x128xf32, #tpu.memory_space<vmem>> -> memref<201x128xf32, #tpu.memory_space<vmem>>
        tpu.wait_dma2 semaphore(%arg25 : memref<!tpu.dma_semaphore, #tpu.memory_space<semaphore_mem>>) src(%dma_wait3A_616 : memref<201x128xf32, #tpu.memory_space<vmem>>) dst(%dma_wait3A_613 : memref<201x128xf32, #tpu.memory_space<hbm>>)
      } else {
      }
      %add3A_476 = arith.addi %mul3A_2, %add3A_467 : i32
      %dma_wait3A_477 = arith.constant 0 : i32
      %dma_wait3A_478 = tpu.memref_slice %arg3[%add3A_476, %dma_wait3A_477] : memref<2048x402xi32, #tpu.memory_space<hbm>> -> memref<1x402xi32, #tpu.memory_space<hbm>>
      %dma_wait3A_479 = tpu.memref_squeeze %dma_wait3A_478 : memref<1x402xi32, #tpu.memory_space<hbm>> -> memref<402xi32, #tpu.memory_space<hbm>>
      %dma_wait3A_480 = arith.constant 0 : i32
      %dma_wait3A_481 = tpu.memref_slice %arg3[%add3A_476, %dma_wait3A_480] : memref<2048x402xi32, #tpu.memory_space<hbm>> -> memref<1x402xi32, #tpu.memory_space<hbm>>
      %dma_wait3A_482 = tpu.memref_squeeze %dma_wait3A_481 : memref<1x402xi32, #tpu.memory_space<hbm>> -> memref<402xi32, #tpu.memory_space<hbm>>
      tpu.wait_dma2 semaphore(%arg21 : memref<!tpu.dma_semaphore, #tpu.memory_space<semaphore_mem>>) src(%dma_wait3A_482 : memref<402xi32, #tpu.memory_space<hbm>>) dst(%arg11 : memref<402xi32, #tpu.memory_space<vmem>>)
      %dma_start3A_483 = arith.constant 0 : i32
      %dma_start3A_484 = arith.constant 0 : i32
      %dma_start3A_485 = tpu.memref_slice %arg2[%dma_start3A_483, %dma_start3A_484] : memref<208208x128xf32, #tpu.memory_space<hbm>> -> memref<208208x128xf32, #tpu.memory_space<hbm>>
      tpu.enqueue_indirect_dma source(%dma_start3A_485 : memref<208208x128xf32, #tpu.memory_space<hbm>>) target(%arg13 : memref<402x128xf32, #tpu.memory_space<vmem>>) offsets(%arg11 : memref<402xi32, #tpu.memory_space<vmem>>) semaphore(%arg23 : memref<!tpu.dma_semaphore, #tpu.memory_space<semaphore_mem>>)
      %dma_wait3A_486 = arith.constant 0 : i32
      %dma_wait3A_487 = arith.constant 0 : i32
      %dma_wait3A_488 = tpu.memref_slice %arg2[%dma_wait3A_486, %dma_wait3A_487] : memref<208208x128xf32, #tpu.memory_space<hbm>> -> memref<208208x128xf32, #tpu.memory_space<hbm>>
      tpu.wait_indirect_dma semaphore(%arg23 : memref<!tpu.dma_semaphore, #tpu.memory_space<semaphore_mem>>) src(%dma_wait3A_488 : memref<208208x128xf32, #tpu.memory_space<hbm>>) dst(%arg13 : memref<402x128xf32, #tpu.memory_space<vmem>>)
      %add3A_489 = arith.constant 4 : i32
      %add3A_490 = arith.addi %add3A_467, %add3A_489 : i32
      %lt3A_491 = arith.constant 64 : i32
      %lt3A_492 = arith.cmpi slt, %add3A_490, %lt3A_491 : i32
      %convert_element_type3A_493 = arith.extui %lt3A_492 : i1 to i32
      %cond3A_494 = arith.constant 0 : i32
      %cond3A_495 = arith.cmpi ne, %convert_element_type3A_493, %cond3A_494 : i32
      scf.if %cond3A_495 {
        %add3A_586 = arith.addi %mul3A_2, %add3A_467 : i32
        %add3A_587 = arith.constant 4 : i32
        %add3A_588 = arith.addi %add3A_586, %add3A_587 : i32
        %dma_start3A_589 = arith.constant 0 : i32
        %dma_start3A_590 = tpu.memref_slice %arg3[%add3A_588, %dma_start3A_589] : memref<2048x402xi32, #tpu.memory_space<hbm>> -> memref<1x402xi32, #tpu.memory_space<hbm>>
        %dma_start3A_591 = tpu.memref_squeeze %dma_start3A_590 : memref<1x402xi32, #tpu.memory_space<hbm>> -> memref<402xi32, #tpu.memory_space<hbm>>
        %dma_start3A_592 = arith.constant 0 : i32
        %dma_start3A_593 = tpu.memref_slice %arg3[%add3A_588, %dma_start3A_592] : memref<2048x402xi32, #tpu.memory_space<hbm>> -> memref<1x402xi32, #tpu.memory_space<hbm>>
        %dma_start3A_594 = tpu.memref_squeeze %dma_start3A_593 : memref<1x402xi32, #tpu.memory_space<hbm>> -> memref<402xi32, #tpu.memory_space<hbm>>
        tpu.enqueue_dma source(%dma_start3A_594 : memref<402xi32, #tpu.memory_space<hbm>>) target(%arg7 : memref<402xi32, #tpu.memory_space<vmem>>) target_semaphore(%arg17 : memref<!tpu.dma_semaphore, #tpu.memory_space<semaphore_mem>>)
      } else {
      }
      %dma_start3A_496 = arith.constant 0 : i32
      %dma_start3A_497 = arith.constant 0 : i32
      %dma_start3A_498 = tpu.memref_slice %arg13[%dma_start3A_496, %dma_start3A_497] : memref<402x128xf32, #tpu.memory_space<vmem>> -> memref<201x128xf32, #tpu.memory_space<vmem>>
      %dma_start3A_499 = arith.constant 0 : i32
      %dma_start3A_500 = arith.constant 0 : i32
      %dma_start3A_501 = tpu.memref_slice %arg4[%mul3A_470, %dma_start3A_499, %dma_start3A_500] : memref<4096x201x128xf32, #tpu.memory_space<hbm>> -> memref<1x201x128xf32, #tpu.memory_space<hbm>>
      %dma_start3A_502 = tpu.memref_squeeze %dma_start3A_501 : memref<1x201x128xf32, #tpu.memory_space<hbm>> -> memref<201x128xf32, #tpu.memory_space<hbm>>
      %dma_start3A_503 = arith.constant 0 : i32
      %dma_start3A_504 = arith.constant 0 : i32
      %dma_start3A_505 = tpu.memref_slice %arg4[%mul3A_470, %dma_start3A_503, %dma_start3A_504] : memref<4096x201x128xf32, #tpu.memory_space<hbm>> -> memref<1x201x128xf32, #tpu.memory_space<hbm>>
      %dma_start3A_506 = tpu.memref_squeeze %dma_start3A_505 : memref<1x201x128xf32, #tpu.memory_space<hbm>> -> memref<201x128xf32, #tpu.memory_space<hbm>>
      %dma_start3A_507 = arith.constant 0 : i32
      %dma_start3A_508 = arith.constant 0 : i32
      %dma_start3A_509 = tpu.memref_slice %arg13[%dma_start3A_507, %dma_start3A_508] : memref<402x128xf32, #tpu.memory_space<vmem>> -> memref<201x128xf32, #tpu.memory_space<vmem>>
      tpu.enqueue_dma source(%dma_start3A_509 : memref<201x128xf32, #tpu.memory_space<vmem>>) target(%dma_start3A_506 : memref<201x128xf32, #tpu.memory_space<hbm>>) target_semaphore(%arg25 : memref<!tpu.dma_semaphore, #tpu.memory_space<semaphore_mem>>)
      %add3A_510 = arith.constant 1 : i32
      %add3A_511 = arith.addi %mul3A_470, %add3A_510 : i32
      %dma_start3A_512 = arith.constant 201 : i32
      %dma_start3A_513 = arith.constant 0 : i32
      %dma_start3A_514 = tpu.memref_slice %arg13[%dma_start3A_512, %dma_start3A_513] : memref<402x128xf32, #tpu.memory_space<vmem>> -> memref<201x128xf32, #tpu.memory_space<vmem>>
      %dma_start3A_515 = arith.constant 0 : i32
      %dma_start3A_516 = arith.constant 0 : i32
      %dma_start3A_517 = tpu.memref_slice %arg4[%add3A_511, %dma_start3A_515, %dma_start3A_516] : memref<4096x201x128xf32, #tpu.memory_space<hbm>> -> memref<1x201x128xf32, #tpu.memory_space<hbm>>
      %dma_start3A_518 = tpu.memref_squeeze %dma_start3A_517 : memref<1x201x128xf32, #tpu.memory_space<hbm>> -> memref<201x128xf32, #tpu.memory_space<hbm>>
      %dma_start3A_519 = arith.constant 0 : i32
      %dma_start3A_520 = arith.constant 0 : i32
      %dma_start3A_521 = tpu.memref_slice %arg4[%add3A_511, %dma_start3A_519, %dma_start3A_520] : memref<4096x201x128xf32, #tpu.memory_space<hbm>> -> memref<1x201x128xf32, #tpu.memory_space<hbm>>
      %dma_start3A_522 = tpu.memref_squeeze %dma_start3A_521 : memref<1x201x128xf32, #tpu.memory_space<hbm>> -> memref<201x128xf32, #tpu.memory_space<hbm>>
      %dma_start3A_523 = arith.constant 201 : i32
      %dma_start3A_524 = arith.constant 0 : i32
      %dma_start3A_525 = tpu.memref_slice %arg13[%dma_start3A_523, %dma_start3A_524] : memref<402x128xf32, #tpu.memory_space<vmem>> -> memref<201x128xf32, #tpu.memory_space<vmem>>
      tpu.enqueue_dma source(%dma_start3A_525 : memref<201x128xf32, #tpu.memory_space<vmem>>) target(%dma_start3A_522 : memref<201x128xf32, #tpu.memory_space<hbm>>) target_semaphore(%arg25 : memref<!tpu.dma_semaphore, #tpu.memory_space<semaphore_mem>>)
      %add3A_526 = arith.constant 7 : i32
      %add3A_527 = arith.addi %add3A_109, %add3A_526 : i32
      %add3A_528 = arith.addi %mul3A_2, %add3A_527 : i32
      %mul3A_529 = arith.constant 2 : i32
      %mul3A_530 = arith.muli %add3A_528, %mul3A_529 : i32
      %ge3A_531 = arith.constant 2 : i32
      %ge3A_532 = arith.cmpi sge, %add3A_527, %ge3A_531 : i32
      %convert_element_type3A_533 = arith.extui %ge3A_532 : i1 to i32
      %cond3A_534 = arith.constant 0 : i32
      %cond3A_535 = arith.cmpi ne, %convert_element_type3A_533, %cond3A_534 : i32
      scf.if %cond3A_535 {
        %sub3A = arith.constant 4 : i32
        %sub3A_586 = arith.subi %mul3A_530, %sub3A : i32
        %dma_wait3A_587 = arith.constant 0 : i32
        %dma_wait3A_588 = arith.constant 0 : i32
        %dma_wait3A_589 = tpu.memref_slice %arg14[%dma_wait3A_587, %dma_wait3A_588] : memref<402x128xf32, #tpu.memory_space<vmem>> -> memref<201x128xf32, #tpu.memory_space<vmem>>
        %dma_wait3A_590 = arith.constant 0 : i32
        %dma_wait3A_591 = arith.constant 0 : i32
        %dma_wait3A_592 = tpu.memref_slice %arg4[%sub3A_586, %dma_wait3A_590, %dma_wait3A_591] : memref<4096x201x128xf32, #tpu.memory_space<hbm>> -> memref<1x201x128xf32, #tpu.memory_space<hbm>>
        %dma_wait3A_593 = tpu.memref_squeeze %dma_wait3A_592 : memref<1x201x128xf32, #tpu.memory_space<hbm>> -> memref<201x128xf32, #tpu.memory_space<hbm>>
        %dma_wait3A_594 = arith.constant 0 : i32
        %dma_wait3A_595 = arith.constant 0 : i32
        %dma_wait3A_596 = tpu.memref_slice %arg4[%sub3A_586, %dma_wait3A_594, %dma_wait3A_595] : memref<4096x201x128xf32, #tpu.memory_space<hbm>> -> memref<1x201x128xf32, #tpu.memory_space<hbm>>
        %dma_wait3A_597 = tpu.memref_squeeze %dma_wait3A_596 : memref<1x201x128xf32, #tpu.memory_space<hbm>> -> memref<201x128xf32, #tpu.memory_space<hbm>>
        %dma_wait3A_598 = arith.constant 0 : i32
        %dma_wait3A_599 = arith.constant 0 : i32
        %dma_wait3A_600 = tpu.memref_slice %arg14[%dma_wait3A_598, %dma_wait3A_599] : memref<402x128xf32, #tpu.memory_space<vmem>> -> memref<201x128xf32, #tpu.memory_space<vmem>>
        tpu.wait_dma2 semaphore(%arg26 : memref<!tpu.dma_semaphore, #tpu.memory_space<semaphore_mem>>) src(%dma_wait3A_600 : memref<201x128xf32, #tpu.memory_space<vmem>>) dst(%dma_wait3A_597 : memref<201x128xf32, #tpu.memory_space<hbm>>)
        %sub3A_601 = arith.constant 3 : i32
        %sub3A_602 = arith.subi %mul3A_530, %sub3A_601 : i32
        %dma_wait3A_603 = arith.constant 201 : i32
        %dma_wait3A_604 = arith.constant 0 : i32
        %dma_wait3A_605 = tpu.memref_slice %arg14[%dma_wait3A_603, %dma_wait3A_604] : memref<402x128xf32, #tpu.memory_space<vmem>> -> memref<201x128xf32, #tpu.memory_space<vmem>>
        %dma_wait3A_606 = arith.constant 0 : i32
        %dma_wait3A_607 = arith.constant 0 : i32
        %dma_wait3A_608 = tpu.memref_slice %arg4[%sub3A_602, %dma_wait3A_606, %dma_wait3A_607] : memref<4096x201x128xf32, #tpu.memory_space<hbm>> -> memref<1x201x128xf32, #tpu.memory_space<hbm>>
        %dma_wait3A_609 = tpu.memref_squeeze %dma_wait3A_608 : memref<1x201x128xf32, #tpu.memory_space<hbm>> -> memref<201x128xf32, #tpu.memory_space<hbm>>
        %dma_wait3A_610 = arith.constant 0 : i32
        %dma_wait3A_611 = arith.constant 0 : i32
        %dma_wait3A_612 = tpu.memref_slice %arg4[%sub3A_602, %dma_wait3A_610, %dma_wait3A_611] : memref<4096x201x128xf32, #tpu.memory_space<hbm>> -> memref<1x201x128xf32, #tpu.memory_space<hbm>>
        %dma_wait3A_613 = tpu.memref_squeeze %dma_wait3A_612 : memref<1x201x128xf32, #tpu.memory_space<hbm>> -> memref<201x128xf32, #tpu.memory_space<hbm>>
        %dma_wait3A_614 = arith.constant 201 : i32
        %dma_wait3A_615 = arith.constant 0 : i32
        %dma_wait3A_616 = tpu.memref_slice %arg14[%dma_wait3A_614, %dma_wait3A_615] : memref<402x128xf32, #tpu.memory_space<vmem>> -> memref<201x128xf32, #tpu.memory_space<vmem>>
        tpu.wait_dma2 semaphore(%arg26 : memref<!tpu.dma_semaphore, #tpu.memory_space<semaphore_mem>>) src(%dma_wait3A_616 : memref<201x128xf32, #tpu.memory_space<vmem>>) dst(%dma_wait3A_613 : memref<201x128xf32, #tpu.memory_space<hbm>>)
      } else {
      }
      %add3A_536 = arith.addi %mul3A_2, %add3A_527 : i32
      %dma_wait3A_537 = arith.constant 0 : i32
      %dma_wait3A_538 = tpu.memref_slice %arg3[%add3A_536, %dma_wait3A_537] : memref<2048x402xi32, #tpu.memory_space<hbm>> -> memref<1x402xi32, #tpu.memory_space<hbm>>
      %dma_wait3A_539 = tpu.memref_squeeze %dma_wait3A_538 : memref<1x402xi32, #tpu.memory_space<hbm>> -> memref<402xi32, #tpu.memory_space<hbm>>
      %dma_wait3A_540 = arith.constant 0 : i32
      %dma_wait3A_541 = tpu.memref_slice %arg3[%add3A_536, %dma_wait3A_540] : memref<2048x402xi32, #tpu.memory_space<hbm>> -> memref<1x402xi32, #tpu.memory_space<hbm>>
      %dma_wait3A_542 = tpu.memref_squeeze %dma_wait3A_541 : memref<1x402xi32, #tpu.memory_space<hbm>> -> memref<402xi32, #tpu.memory_space<hbm>>
      tpu.wait_dma2 semaphore(%arg22 : memref<!tpu.dma_semaphore, #tpu.memory_space<semaphore_mem>>) src(%dma_wait3A_542 : memref<402xi32, #tpu.memory_space<hbm>>) dst(%arg12 : memref<402xi32, #tpu.memory_space<vmem>>)
      %dma_start3A_543 = arith.constant 0 : i32
      %dma_start3A_544 = arith.constant 0 : i32
      %dma_start3A_545 = tpu.memref_slice %arg2[%dma_start3A_543, %dma_start3A_544] : memref<208208x128xf32, #tpu.memory_space<hbm>> -> memref<208208x128xf32, #tpu.memory_space<hbm>>
      tpu.enqueue_indirect_dma source(%dma_start3A_545 : memref<208208x128xf32, #tpu.memory_space<hbm>>) target(%arg14 : memref<402x128xf32, #tpu.memory_space<vmem>>) offsets(%arg12 : memref<402xi32, #tpu.memory_space<vmem>>) semaphore(%arg24 : memref<!tpu.dma_semaphore, #tpu.memory_space<semaphore_mem>>)
      %dma_wait3A_546 = arith.constant 0 : i32
      %dma_wait3A_547 = arith.constant 0 : i32
      %dma_wait3A_548 = tpu.memref_slice %arg2[%dma_wait3A_546, %dma_wait3A_547] : memref<208208x128xf32, #tpu.memory_space<hbm>> -> memref<208208x128xf32, #tpu.memory_space<hbm>>
      tpu.wait_indirect_dma semaphore(%arg24 : memref<!tpu.dma_semaphore, #tpu.memory_space<semaphore_mem>>) src(%dma_wait3A_548 : memref<208208x128xf32, #tpu.memory_space<hbm>>) dst(%arg14 : memref<402x128xf32, #tpu.memory_space<vmem>>)
      %add3A_549 = arith.constant 4 : i32
      %add3A_550 = arith.addi %add3A_527, %add3A_549 : i32
      %lt3A_551 = arith.constant 64 : i32
      %lt3A_552 = arith.cmpi slt, %add3A_550, %lt3A_551 : i32
      %convert_element_type3A_553 = arith.extui %lt3A_552 : i1 to i32
      %cond3A_554 = arith.constant 0 : i32
      %cond3A_555 = arith.cmpi ne, %convert_element_type3A_553, %cond3A_554 : i32
      scf.if %cond3A_555 {
        %add3A_586 = arith.addi %mul3A_2, %add3A_527 : i32
        %add3A_587 = arith.constant 4 : i32
        %add3A_588 = arith.addi %add3A_586, %add3A_587 : i32
        %dma_start3A_589 = arith.constant 0 : i32
        %dma_start3A_590 = tpu.memref_slice %arg3[%add3A_588, %dma_start3A_589] : memref<2048x402xi32, #tpu.memory_space<hbm>> -> memref<1x402xi32, #tpu.memory_space<hbm>>
        %dma_start3A_591 = tpu.memref_squeeze %dma_start3A_590 : memref<1x402xi32, #tpu.memory_space<hbm>> -> memref<402xi32, #tpu.memory_space<hbm>>
        %dma_start3A_592 = arith.constant 0 : i32
        %dma_start3A_593 = tpu.memref_slice %arg3[%add3A_588, %dma_start3A_592] : memref<2048x402xi32, #tpu.memory_space<hbm>> -> memref<1x402xi32, #tpu.memory_space<hbm>>
        %dma_start3A_594 = tpu.memref_squeeze %dma_start3A_593 : memref<1x402xi32, #tpu.memory_space<hbm>> -> memref<402xi32, #tpu.memory_space<hbm>>
        tpu.enqueue_dma source(%dma_start3A_594 : memref<402xi32, #tpu.memory_space<hbm>>) target(%arg8 : memref<402xi32, #tpu.memory_space<vmem>>) target_semaphore(%arg18 : memref<!tpu.dma_semaphore, #tpu.memory_space<semaphore_mem>>)
      } else {
      }
      %dma_start3A_556 = arith.constant 0 : i32
      %dma_start3A_557 = arith.constant 0 : i32
      %dma_start3A_558 = tpu.memref_slice %arg14[%dma_start3A_556, %dma_start3A_557] : memref<402x128xf32, #tpu.memory_space<vmem>> -> memref<201x128xf32, #tpu.memory_space<vmem>>
      %dma_start3A_559 = arith.constant 0 : i32
      %dma_start3A_560 = arith.constant 0 : i32
      %dma_start3A_561 = tpu.memref_slice %arg4[%mul3A_530, %dma_start3A_559, %dma_start3A_560] : memref<4096x201x128xf32, #tpu.memory_space<hbm>> -> memref<1x201x128xf32, #tpu.memory_space<hbm>>
      %dma_start3A_562 = tpu.memref_squeeze %dma_start3A_561 : memref<1x201x128xf32, #tpu.memory_space<hbm>> -> memref<201x128xf32, #tpu.memory_space<hbm>>
      %dma_start3A_563 = arith.constant 0 : i32
      %dma_start3A_564 = arith.constant 0 : i32
      %dma_start3A_565 = tpu.memref_slice %arg4[%mul3A_530, %dma_start3A_563, %dma_start3A_564] : memref<4096x201x128xf32, #tpu.memory_space<hbm>> -> memref<1x201x128xf32, #tpu.memory_space<hbm>>
      %dma_start3A_566 = tpu.memref_squeeze %dma_start3A_565 : memref<1x201x128xf32, #tpu.memory_space<hbm>> -> memref<201x128xf32, #tpu.memory_space<hbm>>
      %dma_start3A_567 = arith.constant 0 : i32
      %dma_start3A_568 = arith.constant 0 : i32
      %dma_start3A_569 = tpu.memref_slice %arg14[%dma_start3A_567, %dma_start3A_568] : memref<402x128xf32, #tpu.memory_space<vmem>> -> memref<201x128xf32, #tpu.memory_space<vmem>>
      tpu.enqueue_dma source(%dma_start3A_569 : memref<201x128xf32, #tpu.memory_space<vmem>>) target(%dma_start3A_566 : memref<201x128xf32, #tpu.memory_space<hbm>>) target_semaphore(%arg26 : memref<!tpu.dma_semaphore, #tpu.memory_space<semaphore_mem>>)
      %add3A_570 = arith.constant 1 : i32
      %add3A_571 = arith.addi %mul3A_530, %add3A_570 : i32
      %dma_start3A_572 = arith.constant 201 : i32
      %dma_start3A_573 = arith.constant 0 : i32
      %dma_start3A_574 = tpu.memref_slice %arg14[%dma_start3A_572, %dma_start3A_573] : memref<402x128xf32, #tpu.memory_space<vmem>> -> memref<201x128xf32, #tpu.memory_space<vmem>>
      %dma_start3A_575 = arith.constant 0 : i32
      %dma_start3A_576 = arith.constant 0 : i32
      %dma_start3A_577 = tpu.memref_slice %arg4[%add3A_571, %dma_start3A_575, %dma_start3A_576] : memref<4096x201x128xf32, #tpu.memory_space<hbm>> -> memref<1x201x128xf32, #tpu.memory_space<hbm>>
      %dma_start3A_578 = tpu.memref_squeeze %dma_start3A_577 : memref<1x201x128xf32, #tpu.memory_space<hbm>> -> memref<201x128xf32, #tpu.memory_space<hbm>>
      %dma_start3A_579 = arith.constant 0 : i32
      %dma_start3A_580 = arith.constant 0 : i32
      %dma_start3A_581 = tpu.memref_slice %arg4[%add3A_571, %dma_start3A_579, %dma_start3A_580] : memref<4096x201x128xf32, #tpu.memory_space<hbm>> -> memref<1x201x128xf32, #tpu.memory_space<hbm>>
      %dma_start3A_582 = tpu.memref_squeeze %dma_start3A_581 : memref<1x201x128xf32, #tpu.memory_space<hbm>> -> memref<201x128xf32, #tpu.memory_space<hbm>>
      %dma_start3A_583 = arith.constant 201 : i32
      %dma_start3A_584 = arith.constant 0 : i32
      %dma_start3A_585 = tpu.memref_slice %arg14[%dma_start3A_583, %dma_start3A_584] : memref<402x128xf32, #tpu.memory_space<vmem>> -> memref<201x128xf32, #tpu.memory_space<vmem>>
      tpu.enqueue_dma source(%dma_start3A_585 : memref<201x128xf32, #tpu.memory_space<vmem>>) target(%dma_start3A_582 : memref<201x128xf32, #tpu.memory_space<hbm>>) target_semaphore(%arg26 : memref<!tpu.dma_semaphore, #tpu.memory_space<semaphore_mem>>)
    }
    %scan3A_37 = arith.constant 8 : i32
    %add3A_38 = arith.constant 62 : i32
    %add3A_39 = arith.addi %mul3A_2, %add3A_38 : i32
    %mul3A_40 = arith.constant 2 : i32
    %mul3A_41 = arith.muli %add3A_39, %mul3A_40 : i32
    %dma_wait3A = arith.constant 0 : i32
    %dma_wait3A_42 = arith.constant 0 : i32
    %dma_wait3A_43 = tpu.memref_slice %arg13[%dma_wait3A, %dma_wait3A_42] : memref<402x128xf32, #tpu.memory_space<vmem>> -> memref<201x128xf32, #tpu.memory_space<vmem>>
    %dma_wait3A_44 = arith.constant 0 : i32
    %dma_wait3A_45 = arith.constant 0 : i32
    %dma_wait3A_46 = tpu.memref_slice %arg4[%mul3A_41, %dma_wait3A_44, %dma_wait3A_45] : memref<4096x201x128xf32, #tpu.memory_space<hbm>> -> memref<1x201x128xf32, #tpu.memory_space<hbm>>
    %dma_wait3A_47 = tpu.memref_squeeze %dma_wait3A_46 : memref<1x201x128xf32, #tpu.memory_space<hbm>> -> memref<201x128xf32, #tpu.memory_space<hbm>>
    %dma_wait3A_48 = arith.constant 0 : i32
    %dma_wait3A_49 = arith.constant 0 : i32
    %dma_wait3A_50 = tpu.memref_slice %arg4[%mul3A_41, %dma_wait3A_48, %dma_wait3A_49] : memref<4096x201x128xf32, #tpu.memory_space<hbm>> -> memref<1x201x128xf32, #tpu.memory_space<hbm>>
    %dma_wait3A_51 = tpu.memref_squeeze %dma_wait3A_50 : memref<1x201x128xf32, #tpu.memory_space<hbm>> -> memref<201x128xf32, #tpu.memory_space<hbm>>
    %dma_wait3A_52 = arith.constant 0 : i32
    %dma_wait3A_53 = arith.constant 0 : i32
    %dma_wait3A_54 = tpu.memref_slice %arg13[%dma_wait3A_52, %dma_wait3A_53] : memref<402x128xf32, #tpu.memory_space<vmem>> -> memref<201x128xf32, #tpu.memory_space<vmem>>
    tpu.wait_dma2 semaphore(%arg25 : memref<!tpu.dma_semaphore, #tpu.memory_space<semaphore_mem>>) src(%dma_wait3A_54 : memref<201x128xf32, #tpu.memory_space<vmem>>) dst(%dma_wait3A_51 : memref<201x128xf32, #tpu.memory_space<hbm>>)
    %add3A_55 = arith.constant 1 : i32
    %add3A_56 = arith.addi %mul3A_41, %add3A_55 : i32
    %dma_wait3A_57 = arith.constant 201 : i32
    %dma_wait3A_58 = arith.constant 0 : i32
    %dma_wait3A_59 = tpu.memref_slice %arg13[%dma_wait3A_57, %dma_wait3A_58] : memref<402x128xf32, #tpu.memory_space<vmem>> -> memref<201x128xf32, #tpu.memory_space<vmem>>
    %dma_wait3A_60 = arith.constant 0 : i32
    %dma_wait3A_61 = arith.constant 0 : i32
    %dma_wait3A_62 = tpu.memref_slice %arg4[%add3A_56, %dma_wait3A_60, %dma_wait3A_61] : memref<4096x201x128xf32, #tpu.memory_space<hbm>> -> memref<1x201x128xf32, #tpu.memory_space<hbm>>
    %dma_wait3A_63 = tpu.memref_squeeze %dma_wait3A_62 : memref<1x201x128xf32, #tpu.memory_space<hbm>> -> memref<201x128xf32, #tpu.memory_space<hbm>>
    %dma_wait3A_64 = arith.constant 0 : i32
    %dma_wait3A_65 = arith.constant 0 : i32
    %dma_wait3A_66 = tpu.memref_slice %arg4[%add3A_56, %dma_wait3A_64, %dma_wait3A_65] : memref<4096x201x128xf32, #tpu.memory_space<hbm>> -> memref<1x201x128xf32, #tpu.memory_space<hbm>>
    %dma_wait3A_67 = tpu.memref_squeeze %dma_wait3A_66 : memref<1x201x128xf32, #tpu.memory_space<hbm>> -> memref<201x128xf32, #tpu.memory_space<hbm>>
    %dma_wait3A_68 = arith.constant 201 : i32
    %dma_wait3A_69 = arith.constant 0 : i32
    %dma_wait3A_70 = tpu.memref_slice %arg13[%dma_wait3A_68, %dma_wait3A_69] : memref<402x128xf32, #tpu.memory_space<vmem>> -> memref<201x128xf32, #tpu.memory_space<vmem>>
    tpu.wait_dma2 semaphore(%arg25 : memref<!tpu.dma_semaphore, #tpu.memory_space<semaphore_mem>>) src(%dma_wait3A_70 : memref<201x128xf32, #tpu.memory_space<vmem>>) dst(%dma_wait3A_67 : memref<201x128xf32, #tpu.memory_space<hbm>>)
    %add3A_71 = arith.constant 63 : i32
    %add3A_72 = arith.addi %mul3A_2, %add3A_71 : i32
    %mul3A_73 = arith.constant 2 : i32
    %mul3A_74 = arith.muli %add3A_72, %mul3A_73 : i32
    %dma_wait3A_75 = arith.constant 0 : i32
    %dma_wait3A_76 = arith.constant 0 : i32
    %dma_wait3A_77 = tpu.memref_slice %arg14[%dma_wait3A_75, %dma_wait3A_76] : memref<402x128xf32, #tpu.memory_space<vmem>> -> memref<201x128xf32, #tpu.memory_space<vmem>>
    %dma_wait3A_78 = arith.constant 0 : i32
    %dma_wait3A_79 = arith.constant 0 : i32
    %dma_wait3A_80 = tpu.memref_slice %arg4[%mul3A_74, %dma_wait3A_78, %dma_wait3A_79] : memref<4096x201x128xf32, #tpu.memory_space<hbm>> -> memref<1x201x128xf32, #tpu.memory_space<hbm>>
    %dma_wait3A_81 = tpu.memref_squeeze %dma_wait3A_80 : memref<1x201x128xf32, #tpu.memory_space<hbm>> -> memref<201x128xf32, #tpu.memory_space<hbm>>
    %dma_wait3A_82 = arith.constant 0 : i32
    %dma_wait3A_83 = arith.constant 0 : i32
    %dma_wait3A_84 = tpu.memref_slice %arg4[%mul3A_74, %dma_wait3A_82, %dma_wait3A_83] : memref<4096x201x128xf32, #tpu.memory_space<hbm>> -> memref<1x201x128xf32, #tpu.memory_space<hbm>>
    %dma_wait3A_85 = tpu.memref_squeeze %dma_wait3A_84 : memref<1x201x128xf32, #tpu.memory_space<hbm>> -> memref<201x128xf32, #tpu.memory_space<hbm>>
    %dma_wait3A_86 = arith.constant 0 : i32
    %dma_wait3A_87 = arith.constant 0 : i32
    %dma_wait3A_88 = tpu.memref_slice %arg14[%dma_wait3A_86, %dma_wait3A_87] : memref<402x128xf32, #tpu.memory_space<vmem>> -> memref<201x128xf32, #tpu.memory_space<vmem>>
    tpu.wait_dma2 semaphore(%arg26 : memref<!tpu.dma_semaphore, #tpu.memory_space<semaphore_mem>>) src(%dma_wait3A_88 : memref<201x128xf32, #tpu.memory_space<vmem>>) dst(%dma_wait3A_85 : memref<201x128xf32, #tpu.memory_space<hbm>>)
    %add3A_89 = arith.constant 1 : i32
    %add3A_90 = arith.addi %mul3A_74, %add3A_89 : i32
    %dma_wait3A_91 = arith.constant 201 : i32
    %dma_wait3A_92 = arith.constant 0 : i32
    %dma_wait3A_93 = tpu.memref_slice %arg14[%dma_wait3A_91, %dma_wait3A_92] : memref<402x128xf32, #tpu.memory_space<vmem>> -> memref<201x128xf32, #tpu.memory_space<vmem>>
    %dma_wait3A_94 = arith.constant 0 : i32
    %dma_wait3A_95 = arith.constant 0 : i32
    %dma_wait3A_96 = tpu.memref_slice %arg4[%add3A_90, %dma_wait3A_94, %dma_wait3A_95] : memref<4096x201x128xf32, #tpu.memory_space<hbm>> -> memref<1x201x128xf32, #tpu.memory_space<hbm>>
    %dma_wait3A_97 = tpu.memref_squeeze %dma_wait3A_96 : memref<1x201x128xf32, #tpu.memory_space<hbm>> -> memref<201x128xf32, #tpu.memory_space<hbm>>
    %dma_wait3A_98 = arith.constant 0 : i32
    %dma_wait3A_99 = arith.constant 0 : i32
    %dma_wait3A_100 = tpu.memref_slice %arg4[%add3A_90, %dma_wait3A_98, %dma_wait3A_99] : memref<4096x201x128xf32, #tpu.memory_space<hbm>> -> memref<1x201x128xf32, #tpu.memory_space<hbm>>
    %dma_wait3A_101 = tpu.memref_squeeze %dma_wait3A_100 : memref<1x201x128xf32, #tpu.memory_space<hbm>> -> memref<201x128xf32, #tpu.memory_space<hbm>>
    %dma_wait3A_102 = arith.constant 201 : i32
    %dma_wait3A_103 = arith.constant 0 : i32
    %dma_wait3A_104 = tpu.memref_slice %arg14[%dma_wait3A_102, %dma_wait3A_103] : memref<402x128xf32, #tpu.memory_space<vmem>> -> memref<201x128xf32, #tpu.memory_space<vmem>>
    tpu.wait_dma2 semaphore(%arg26 : memref<!tpu.dma_semaphore, #tpu.memory_space<semaphore_mem>>) src(%dma_wait3A_104 : memref<201x128xf32, #tpu.memory_space<vmem>>) dst(%dma_wait3A_101 : memref<201x128xf32, #tpu.memory_space<hbm>>)
    return
  }
}

module attributes {stable_mosaic.version = 14 : i64} {
  func.func @_pid_kernel(%arg0: i32, %arg1: memref<256x402xi32, #tpu.memory_space<vmem>>, %arg2: memref<256x402xi32, #tpu.memory_space<vmem>>) attributes {dimension_semantics = [#tpu.dimension_semantics<arbitrary>], iteration_bounds = array<i64: 8>, scalar_prefetch = 0 : i64, scratch_operands = 0 : i64, tpu.core_type = #tpu.core_type<tc>, window_params = [{transform_indices = @transform_0, window_bounds = array<i64: 256, 402>}, {transform_indices = @transform_1, window_bounds = array<i64: 256, 402>}]} {
    %iota3A = tpu.iota {dimensions = array<i32: 1>} : vector<256x402xi32>
    %lt3A = arith.constant 201 : i32
    %lt3A_0 = vector.broadcast %lt3A : i32 to vector<256x402xi32>
    %lt3A_1 = arith.cmpi slt, %iota3A, %lt3A_0 : vector<256x402xi32>
    %sub3A = arith.constant 201 : i32
    %sub3A_2 = vector.broadcast %sub3A : i32 to vector<256x402xi32>
    %sub3A_3 = arith.subi %iota3A, %sub3A_2 : vector<256x402xi32>
    %select_n3A = arith.select %lt3A_1, %iota3A, %sub3A_3 : vector<256x402xi1>, vector<256x402xi32>
    %get3A = arith.constant 0 : index
    %get3A_4 = arith.constant 0 : index
    %get3A_5 = vector.load %arg1[%get3A, %get3A_4] : memref<256x402xi32, #tpu.memory_space<vmem>>, vector<256x402xi32>
    %mul3A = arith.constant 208 : i32
    %mul3A_6 = vector.broadcast %mul3A : i32 to vector<256x402xi32>
    %mul3A_7 = arith.muli %get3A_5, %mul3A_6 : vector<256x402xi32>
    %add3A = arith.addi %mul3A_7, %select_n3A : vector<256x402xi32>
    %swap3A = arith.constant 0 : index
    %swap3A_8 = arith.constant 0 : index
    %swap3A_9 = vector.load %arg2[%swap3A, %swap3A_8] : memref<256x402xi32, #tpu.memory_space<vmem>>, vector<256x402xi32>
    tpu.vector_store %arg2[%swap3A, %swap3A_8], %add3A {strides = array<i32>} : memref<256x402xi32, #tpu.memory_space<vmem>>, vector<256x402xi32>,
    return
  }
  func.func @transform_0(%arg0: i32) -> (i32, i32) {
    %c0_i32 = arith.constant 0 : i32
    %c0_i32_0 = arith.constant 0 : i32
    return %arg0, %c0_i32 : i32, i32
  }
  func.func @transform_1(%arg0: i32) -> (i32, i32) {
    %c0_i32 = arith.constant 0 : i32
    %c0_i32_0 = arith.constant 0 : i32
    return %arg0, %c0_i32 : i32, i32
  }
}

module attributes {stable_mosaic.version = 14 : i64} {
  func.func @_pairtab_kernel(%arg0: i32, %arg1: memref<16x128xf32, #tpu.memory_space<vmem>>, %arg2: memref<208x128xf32, #tpu.memory_space<vmem>>, %arg3: memref<1x128xf32, #tpu.memory_space<vmem>>, %arg4: memref<1x128xf32, #tpu.memory_space<vmem>>, %arg5: memref<3328x128xf32, #tpu.memory_space<vmem>>) attributes {dimension_semantics = [#tpu.dimension_semantics<arbitrary>], iteration_bounds = array<i64: 63>, scalar_prefetch = 0 : i64, scratch_operands = 0 : i64, tpu.core_type = #tpu.core_type<tc>, window_params = [{transform_indices = @transform_0, window_bounds = array<i64: 16, 128>}, {pipeline_mode = #tpu.pipeline_mode<synchronous>, transform_indices = @transform_1, window_bounds = array<i64: 208, 128>}, {pipeline_mode = #tpu.pipeline_mode<synchronous>, transform_indices = @transform_2, window_bounds = array<i64: 1, 128>}, {pipeline_mode = #tpu.pipeline_mode<synchronous>, transform_indices = @transform_3, window_bounds = array<i64: 1, 128>}, {transform_indices = @transform_4, window_bounds = array<i64: 3328, 128>}]} {
    %get3A = arith.constant 0 : index
    %get3A_0 = arith.constant 0 : index
    %get3A_1 = vector.load %arg1[%get3A, %get3A_0] : memref<16x128xf32, #tpu.memory_space<vmem>>, vector<16x128xf32>
    %broadcast_in_dim3A = vector.shape_cast %get3A_1 : vector<16x128xf32> to vector<16x1x128xf32>
    %mul3A = arith.constant 11.3137083 : f32
    %mul3A_2 = vector.broadcast %mul3A : f32 to vector<16x1x128xf32>
    %mul3A_3 = arith.mulf %broadcast_in_dim3A, %mul3A_2 : vector<16x1x128xf32>
    %get3A_4 = arith.constant 0 : index
    %get3A_5 = arith.constant 0 : index
    %get3A_6 = vector.load %arg2[%get3A_4, %get3A_5] : memref<208x128xf32, #tpu.memory_space<vmem>>, vector<208x128xf32>
    %broadcast_in_dim3A_7 = vector.shape_cast %get3A_6 : vector<208x128xf32> to vector<1x208x128xf32>
    %add3A = vector.broadcast %mul3A_3 : vector<16x1x128xf32> to vector<16x208x128xf32>
    %add3A_8 = vector.broadcast %broadcast_in_dim3A_7 : vector<1x208x128xf32> to vector<16x208x128xf32>
    %add3A_9 = arith.addf %add3A, %add3A_8 : vector<16x208x128xf32>
    %reshape3A = vector.shape_cast %add3A_9 : vector<16x208x128xf32> to vector<3328x128xf32>
    %broadcast_in_dim3A_10 = arith.constant 7.812500e-03 : f32
    %broadcast_in_dim3A_11 = vector.broadcast %broadcast_in_dim3A_10 : f32 to vector<128x128xf32>
    %dot_general3A = arith.constant dense<0.000000e+00> : vector<3328x128xf32>
    %dot_general3A_12 = tpu.matmul %reshape3A, %broadcast_in_dim3A_11, %dot_general3A {dimension_numbers = #tpu.dot_dimension_numbers<[1], [0], [0], [1], [0, 0, 1, 1], [], []>, transpose_lhs_hint = false} : vector<3328x128xf32>, vector<128x128xf32>, vector<3328x128xf32> -> vector<3328x128xf32>
    %mul3A_13 = arith.mulf %reshape3A, %reshape3A : vector<3328x128xf32>
    %dot_general3A_14 = arith.constant dense<0.000000e+00> : vector<3328x128xf32>
    %dot_general3A_15 = tpu.matmul %mul3A_13, %broadcast_in_dim3A_11, %dot_general3A_14 {dimension_numbers = #tpu.dot_dimension_numbers<[1], [0], [0], [1], [0, 0, 1, 1], [], []>, transpose_lhs_hint = false} : vector<3328x128xf32>, vector<128x128xf32>, vector<3328x128xf32> -> vector<3328x128xf32>
    %mul3A_16 = arith.mulf %dot_general3A_12, %dot_general3A_12 : vector<3328x128xf32>
    %sub3A = arith.subf %dot_general3A_15, %mul3A_16 : vector<3328x128xf32>
    %sub3A_17 = arith.subf %reshape3A, %dot_general3A_12 : vector<3328x128xf32>
    %add3A_18 = arith.constant 9.99999996E-13 : f32
    %add3A_19 = vector.broadcast %add3A_18 : f32 to vector<3328x128xf32>
    %add3A_20 = arith.addf %sub3A, %add3A_19 : vector<3328x128xf32>
    %rsqrt3A = math.rsqrt %add3A_20 : vector<3328x128xf32>
    %mul3A_21 = arith.mulf %sub3A_17, %rsqrt3A : vector<3328x128xf32>
    %get3A_22 = arith.constant 0 : index
    %get3A_23 = arith.constant 0 : index
    %get3A_24 = vector.load %arg3[%get3A_22, %get3A_23] : memref<1x128xf32, #tpu.memory_space<vmem>>, vector<1x128xf32>
    %mul3A_25 = vector.broadcast %get3A_24 : vector<1x128xf32> to vector<3328x128xf32>
    %mul3A_26 = arith.mulf %mul3A_21, %mul3A_25 : vector<3328x128xf32>
    %get3A_27 = arith.constant 0 : index
    %get3A_28 = arith.constant 0 : index
    %get3A_29 = vector.load %arg4[%get3A_27, %get3A_28] : memref<1x128xf32, #tpu.memory_space<vmem>>, vector<1x128xf32>
    %add3A_30 = vector.broadcast %get3A_29 : vector<1x128xf32> to vector<3328x128xf32>
    %add3A_31 = arith.addf %mul3A_26, %add3A_30 : vector<3328x128xf32>
    %swap3A = arith.constant 0 : index
    %swap3A_32 = arith.constant 0 : index
    %swap3A_33 = vector.load %arg5[%swap3A, %swap3A_32] : memref<3328x128xf32, #tpu.memory_space<vmem>>, vector<3328x128xf32>
    tpu.vector_store %arg5[%swap3A, %swap3A_32], %add3A_31 {strides = array<i32>} : memref<3328x128xf32, #tpu.memory_space<vmem>>, vector<3328x128xf32>,
    return
  }
  func.func @transform_0(%arg0: i32) -> (i32, i32) {
    %c0_i32 = arith.constant 0 : i32
    %c0_i32_0 = arith.constant 0 : i32
    return %arg0, %c0_i32 : i32, i32
  }
  func.func @transform_1(%arg0: i32) -> (i32, i32) {
    %c0_i32 = arith.constant 0 : i32
    %c0_i32_0 = arith.constant 0 : i32
    %c0_i32_1 = arith.constant 0 : i32
    return %c0_i32, %c0_i32_0 : i32, i32
  }
  func.func @transform_2(%arg0: i32) -> (i32, i32) {
    %c0_i32 = arith.constant 0 : i32
    %c0_i32_0 = arith.constant 0 : i32
    %c0_i32_1 = arith.constant 0 : i32
    return %c0_i32, %c0_i32_0 : i32, i32
  }
  func.func @transform_3(%arg0: i32) -> (i32, i32) {
    %c0_i32 = arith.constant 0 : i32
    %c0_i32_0 = arith.constant 0 : i32
    %c0_i32_1 = arith.constant 0 : i32
    return %c0_i32, %c0_i32_0 : i32, i32
  }
  func.func @transform_4(%arg0: i32) -> (i32, i32) {
    %c0_i32 = arith.constant 0 : i32
    %c0_i32_0 = arith.constant 0 : i32
    return %arg0, %c0_i32 : i32, i32
  }
}

</mosaic_0001>

<sc_bundles>
// kernel: kernel.5.cloned.1.call-start
scs
__scs_entry_jumppad:
0x0: {  	(pc) =	sbr.rel $0x88, $3  }
0x1: {  	(tag) =	ssettag $0x0;
	lr =	simm.s32 $0x1  }
0x2: {  	[smem:$0x3F9B] =	sst lr;
	_ =	strace $0xD0000000  }
0x3: {  	_ = 	snop  }
0x4: {  	_ = 	snop  }
0x5: {  	_ = 	snop  }
0x6: {  	_ = 	snop  }
0x7: {  	_ = 	snop  }
__scs_overlays_trampoline_lowered:
0x8: {  	[smem:$0x3FAA] =	sst s0  }
0x9: {  	[smem:$0x3FAB] =	sst s1  }
0xa: {  	[smem:$0x3FAC] =	sst s2  }
0xb: {  	[smem:$0x3FAD] =	sst s3  }
0xc: {  	[smem:$0x3FAE] =	sst s4  }
0xd: {  	[smem:$0x3FAF] =	sst s5  }
0xe: {  	[smem:$0x3FB0] =	sst s6  }
0xf: {  	[smem:$0x3FB1] =	sst s7  }
0x10: {  	[smem:$0x3FB2] =	sst s8  }
0x11: {  	[smem:$0x3FB3] =	sst s9;
	s0 =	simm.s32 @!p0 $0x0  }
0x12: {  	s1 =	sld [smem:$0x3F99];
	s0 =	simm.s32 @p0 $0x1  }
0x13: {  	[smem:$0x3FB4] =	sst s0;
	s0 =	simm.s32 @!p1 $0x0  }
0x14: {  	s2 =	sld [smem:$0x3F98];
	s0 =	simm.s32 @p1 $0x1  }
0x15: {  	[smem:$0x3FB5] =	sst s0;
	s0 =	simm.s32 @!p2 $0x0  }
0x16: {  	s3 =	sld [smem:$0x3FDB];
	s0 =	simm.s32 @p2 $0x1  }
0x17: {  	s4 =	simm.s32 $0x1BF5;
	[smem:$0x3FB7] =	sst s0  }
0x18: {  	s0 =	sld [smem:$0x3F9A];
	_ =	swait.ge [sflag:s4], $0x0  }
0x19: {  	s7 =	sld [smem:$0x3F9B]  }
0x1a: {  	s8 =	sadd.s32 $0xFFFFE003, lr  }
0x1b: {  	s9 =	sadd.s32 $0xFFFFFEF7, lr;
	s5 =	simm.s32 $0xFFFFFFFF;
	p2 =	slt.u32 s8, $0xFFFFF086  }
0x1c: {  	p1 =	slt.u32 s9, $0xF7A;
	s5 =	simm.s32 @!p2 $0x0  }
0x1d: {  	s5 =	simm.s32 @p1 $0x1;
	p0 =	seq.s32 s7, s2  }
0x1e: {  	s7 =	smul.u32 @!p0 $0xF7A, s2;
	p2 =	seq.s32 @!p0 s5, $0x0  }
0x1f: {  	s9 =	smul.u32 $0xF7A, s1;
	s8 =	simm.s32 @!p0 $0x1BF5;
	p2 =	por !p2, p0  }
0x20: {  	[sflag:s8] =	ssyncset.s32 @!p0 $0xFFFFF086;
	s6 =	sadd.s32 @!p0 s3, s7;
	s7 =	simm.s32 @!p0 $0x108  }
0x21: {  	s3 =	sadd.s32 s3, s9;
	s6 =	sadd.s32 @!p0 $0x88, s6;
	s7 =	simm.s32 @p2 $0x1082  }
0x22: {  	[simem:s7], [sflag:s8] =	dma.local @!p0 [hbm:s6], $0xF7A  }
0x23: {  	s9 =	sor.u32 $0xD0000000, s2;
	s6 =	simm.s32 $0x108;
	_ =	swait.ge @!p0 [sflag:s8], $0x0  }
0x24: {  	s3 =	sadd.s32 $0x88, s3;
	s6 =	simm.s32 @!p1 $0x1082;
	[sflag:s4] =	ssyncset.s32 $0xFFFFF086  }
0x25: {  	[simem:s6], [sflag:s4] =	dma.local [hbm:s3], $0xF7A  }
0x26: {  	[smem:$0x3F9B] =	sst s1;
	(tag) =	ssettag s2;
	_ =	strace s9  }
0x27: {  	s1 =	sld [smem:$0x3FAB]  }
0x28: {  	s2 =	sld [smem:$0x3FAC]  }
0x29: {  	s4 =	sld [smem:$0x3FAE]  }
0x2a: {  	p0 =	seq.s32 s5, $0x0;
	s5 =	sld [smem:$0x3FAF]  }
0x2b: {  	s6 =	sld [smem:$0x3FB0]  }
0x2c: {  	s7 =	sld [smem:$0x3FB1]  }
0x2d: {  	s3 =	simm.s32 $0x108;
	s8 =	sld [smem:$0x3FB2]  }
0x2e: {  	s3 =	simm.s32 @!p0 $0x1082;
	s9 =	sld [smem:$0x3FB3]  }
0x2f: {  	lr =	sadd.s32 s0, s3;
	s0 =	sld [smem:$0x3FAA]  }
0x30: {  	s3 =	sld [smem:$0x3FAD]  }
0x31: {  	[smem:$0x3FB6] =	sst s10  }
0x32: {  	s10 =	sld [smem:$0x3FB4];
	_ =	sdelay $0x3  }
0x33: {  	p0 =	seq.s32 s10, $0x1;
	s10 =	sld [smem:$0x3FB6];
	_ =	sdelay $0x3  }
0x34: {  	[smem:$0x3FB6] =	sst s10  }
0x35: {  	s10 =	sld [smem:$0x3FB5];
	_ =	sdelay $0x3  }
0x36: {  	p1 =	seq.s32 s10, $0x1;
	s10 =	sld [smem:$0x3FB6];
	_ =	sdelay $0x3  }
0x37: {  	[smem:$0x3FB6] =	sst s10  }
0x38: {  	s10 =	sld [smem:$0x3FB7]  }
0x39: {  	_ = 	snop;
	(pc) =	sbr.ind lr, $3  }
0x3a: {  	_ = 	snop  }
0x3b: {  	_ = 	snop  }
0x3c: {  	p2 =	seq.s32 s10, $0x1;
	s10 =	sld [smem:$0x3FB6]  }
0x3d: {  	_ =	shalt  }
0x3e: {  	_ =	shalt  }
0x3f: {  	_ =	shalt  }
0x40: {  	_ =	shalt  }
0x41: {  	_ =	shalt  }
0x42: {  	_ =	shalt  }
0x43: {  	_ =	shalt  }
0x44: {  	_ =	shalt  }
0x45: {  	_ =	shalt  }
0x46: {  	_ =	shalt  }
0x47: {  	_ =	shalt  }
0x48: {  	_ =	shalt  }
0x49: {  	_ =	shalt  }
0x4a: {  	_ =	shalt  }
0x4b: {  	_ =	shalt  }
0x4c: {  	_ =	shalt  }
0x4d: {  	_ =	shalt  }
0x4e: {  	_ =	shalt  }
0x4f: {  	_ =	shalt  }
0x50: {  	_ =	shalt  }
0x51: {  	_ =	shalt  }
0x52: {  	_ =	shalt  }
0x53: {  	_ =	shalt  }
0x54: {  	_ =	shalt  }
0x55: {  	_ =	shalt  }
0x56: {  	_ =	shalt  }
0x57: {  	_ =	shalt  }
0x58: {  	_ =	shalt  }
0x59: {  	_ =	shalt  }
0x5a: {  	_ =	shalt  }
0x5b: {  	_ =	shalt  }
0x5c: {  	_ =	shalt  }
0x5d: {  	_ =	shalt  }
0x5e: {  	_ =	shalt  }
0x5f: {  	_ =	shalt  }
0x60: {  	_ =	shalt  }
0x61: {  	_ =	shalt  }
0x62: {  	_ =	shalt  }
0x63: {  	_ =	shalt  }
0x64: {  	_ =	shalt  }
0x65: {  	_ =	shalt  }
0x66: {  	_ =	shalt  }
0x67: {  	_ =	shalt  }
0x68: {  	_ =	shalt  }
0x69: {  	_ =	shalt  }
0x6a: {  	_ =	shalt  }
0x6b: {  	_ =	shalt  }
0x6c: {  	_ =	shalt  }
0x6d: {  	_ =	shalt  }
0x6e: {  	_ =	shalt  }
0x6f: {  	_ =	shalt  }
0x70: {  	_ =	shalt  }
0x71: {  	_ =	shalt  }
0x72: {  	_ =	shalt  }
0x73: {  	_ =	shalt  }
0x74: {  	_ =	shalt  }
0x75: {  	_ =	shalt  }
0x76: {  	_ =	shalt  }
0x77: {  	_ =	shalt  }
0x78: {  	_ =	shalt  }
0x79: {  	_ =	shalt  }
0x7a: {  	_ =	shalt  }
0x7b: {  	_ =	shalt  }
0x7c: {  	_ =	shalt  }
0x7d: {  	_ =	shalt  }
0x7e: {  	_ =	shalt  }
0x7f: {  	_ =	shalt  }
0x80: {  	_ =	shalt  }
0x81: {  	_ =	shalt  }
0x82: {  	_ =	shalt  }
0x83: {  	_ =	shalt  }
0x84: {  	_ =	shalt  }
0x85: {  	_ =	shalt  }
0x86: {  	_ =	shalt  }
0x87: {  	_ =	shalt  }
.Lfunc_end0:
.L_simem_size_0:
called_computation_lowered:
.L_overlay_start_0:
0x88: {  	s2 =	sld [smem:$0x3FD9]  }
0x89: {  	s3 =	sld [smem:$0x3FFE];
	_ =	sdelay $0x1  }
0x8a: {  	s1 =	srdreg.scid  }
0x8b: {  	s0 =	sand.u32 $0x1, s1  }
0x8c: {  	s14 =	sshll.u32 s0, $0xA;
	s2 =	sadd.s32 s3, s2  }
0x8d: {  	s2 =	sadd.s32 s2, s14  }
0x8e: {  	[smem:$0x3FC2] =	sst s2  }
0x8f: {  	_ = 	snop  }
0x90: {  	s2 =	sld [smem:$0x3FD0];
	_ =	sdelay $0x2  }
0x91: {  	s15 =	simm.s32 $0xA;
	s4 =	simm.s32 $0x10  }
0x92: {  	[smem:s4], [sflag:s15] =	dma.local [hbm:s2], $0x1  }
0x93: {  	_ =	swait.eq [sflag:s15], $0x1  }
0x94: {  	[sflag:s15] =	ssyncset.done $0x0  }
0x95: {  	[sflag:s15] =	ssyncadd.s32 $0xFFFFFFFF  }
0x96: {  	s16 =	sld [smem:$0x10];
	(tm) =	ssettm $0x1  }
0x97: {  	s17 =	sld [smem:$0x3FFB];
	_ =	sdelay $0x3  }
0x98: {  	_ =	strace s17  }
0x99: {  	s3 =	sld [smem:$0x3FFC];
	_ =	sdelay $0x3  }
0x9a: {  	_ =	strace s3  }
0x9b: {  	s3 =	sld [smem:$0x3FFD];
	_ =	sdelay $0x3  }
0x9c: {  	_ =	strace s3  }
0x9d: {  	_ =	strace $0x8FFFFFFF  }
0x9e: {  	s18 =	sld [smem:$0x3FDB];
	_ =	sdelay $0x1  }
0x9f: {  	s19 =	simm.s32 $_scs_section_size  }
0xa0: {  	s5 =	simm.s32 $_size__tile_overlayer_lowered;
	s6 =	simm.s32 $_tile_overlayer_lowered  }
0xa1: {  	s22 =	simm.s32 $0x1BFF;
	s21 =	sshll.u32 s6, $0x1;
	s3 =	sadd.s32 s19, s18  }
0xa2: {  	s7 =	simm.s32 $0x0;
	s20 =	sshll.u32 s5, $0x1;
	s5 =	sadd.s32 s21, s3  }
0xa3: {  	[timem:s7], [sflag:s22] =	dma.local [hbm:s5], s20  }
0xa4: {  	_ =	swait.ge [sflag:s22], s20  }
0xa5: {  	s4 =	ssub.s32 $0x0, s20;
	[sflag:s22] =	ssyncset.done $0x0  }
0xa6: {  	[sflag:s22] =	ssyncadd.s32 s4;
	_ =	sdelay $0x1  }
0xa7: {  	s23 =	simm.s32 $0x1B8B  }
0xa8: {  	_ =	swait.ge [sflag:s23], $0x1  }
0xa9: {  	[sflag:s23] =	ssyncset.done $0x0  }
0xaa: {  	s25 =	simm.s32 $0x1B8E;
	s24 =	sld [smem:$0x3FFE];
	[sflag:s23] =	ssyncadd.s32 $0xFFFFFFFF  }
0xab: {  	s26 =	simm.s32 $execute0_lowered;
	[smem:$0x3FD2] =	sst s25  }
0xac: {  	s5 =	sshll.u32 s26, $0x1;
	_ =	strace $0x80000046;
	[dreg:$0x1] =	wrdreg $0xFFFFFFFF  }
0xad: {  	s28 =	simm.s32 $_size_execute0_lowered;
	s3 =	sadd.s32 s3, s5;
	[dreg:$0x0] =	wrdreg $0x0  }
0xae: {  	s5 =	sshll.u32 s28, $0x1;
	[dreg:$0x2] =	wrdreg s3  }
0xaf: {  	[dreg:$0x3] =	wrdreg s5  }
0xb0: {  	[dreg:$0x4] =	wrdreg $0xC0  }
0xb1: {  	_ =	task [dreg:s7], $0x5FFFF  }
0xb2: {  	[dreg:$0x1] =	wrdreg $0xFFFFFFFF  }
0xb3: {  	[dreg:$0x0] =	wrdreg $0x60  }
0xb4: {  	[dreg:$0x2] =	wrdreg s16  }
0xb5: {  	[dreg:$0x3] =	wrdreg s24  }
0xb6: {  	[dreg:$0x4] =	wrdreg $0x9  }
0xb7: {  	_ =	task.clear_ibuf [dreg:s7], $0x5FFFF;
	_ =	strace $0x90000046  }
0xb8: {  	s29 =	simm.s32 $0x9;
	_ =	strace $0x80000048  }
0xb9: {  	_ =	swait.ge [sflag:s29], $0x1  }
0xba: {  	[sflag:s29] =	ssyncadd.s32 $0xFFFFFFFF  }
0xbb: {  	_ =	strace $0x90000048  }
0xbc: {  	_ =	sfence  }
0xbd: {  	s30 =	sld [smem:$0x0];
	_ =	sdelay $0x2  }
0xbe: {  	s31 =	sshll.u32 s1, $0xD;
	s1 =	sshrl.u32 s1, $0x2  }
0xbf: {  	s3 =	sand.u32 $0x4000, s31;
	s1 =	sadd.s32 s1, s30  }
0xc0: {  	s0 =	sor.u32 s3, s0;
	s1 =	sshll.u32 s1, $0x11  }
0xc1: {  	s0 =	sor.u32 s1, s0  }
0xc2: {  	s0 =	sadd.s32 $0x8F2B, s0  }
0xc3: {  	[sflag:s0] =	ssyncadd.remote.s32 $0x1  }
0xc4: {  	_ =	sfence.sel $0xFFFF  }
0xc5: {  	[dreg:$0x0] =	wrdreg $0xFFFFFFFF;
	(pc) =	sbr.abs _section_cstart, $3  }
0xc6: {  	[dreg:$0x1] =	wrdreg $0xFFFFFFFF  }
0xc7: {  	_ =	task.clear_ibuf [dreg:s7], $0x2FFFF;
	_ =	strace $0x9FFFFFFF  }
0xc8: {  	(tm) =	ssettm $0x7FFFFFFF  }
0xc9: {  	_ =	shalt  }
tec
execute0_lowered:
.L_overlay_start_1:
0x0: {  	(tag) =	ssettag $0x1  }
0x1: {  	s1 =	rddreg [dreg:$0x0]  }
0x2: {  	s0 =	rddreg [dreg:$0x1]  }
0x3: {  	s2 =	simm.s32 $0x0;
	s3 =	srdreg.scid;
	s9 =	stileid.u32  }
0x4: {  	s30 =	simm.s32 $0xC;
	s28 =	simm.s32 $0xC00;
	s31 =	simm.s32 $0xE00  }
0x5: {  	[smem:$0x7FF] =	sst s2;
	s3 =	sand.u32 $0x1, s3;
	s10 =	sadd.s32 $0x1000, s0  }
0x6: {  	s5 =	sshll.u32 s9, $0xD;
	s7 =	smul.u32 $0x680000, s9;
	s0 =	sadd.s32 $0x21000, s0  }
0x7: {  	s16 =	smul.u32 $0xD0000, s9;
	s9 =	simm.s32 $0x8;
	_ =	strace $0x80000047  }
0x8: {  	s4 =	ssub.s32 $0x2, s3;
	s6 =	sshll.u32 s3, $0xC;
	s11 =	smul.u32 $0x340000, s3  }
0x9: {  	[dreg:$0xd] =	wrdreg s10;
	s8 =	sshrl.u32 s4, $0x1;
	s5 =	sor.u32 s6, s5  }
0xa: {  	s3 =	smul.u32 $0x68000, s3;
	s4 =	ssub.s32 s4, s8;
	s12 =	sadd.s32 s10, s5  }
0xb: {  	s6 =	sadd.s32 s11, s7;
	s17 =	sor.u32 $0x230, s5;
	s8 =	sadd.s32 s16, s0  }
0xc: {  	s19 =	sor.u32 $0x220, s5;
	s22 =	sor.u32 $0x210, s5;
	s11 =	simm.s32 $0x80  }
0xd: {  	s16 =	simm.s32 $0x192;
	s10 =	sadd.s32 $0x10, s12;
	[dreg:$0xe] =	wrdreg s12  }
0xe: {  	s13 =	sadd.s32 $0x20, s12;
	s14 =	sadd.s32 $0x30, s12;
	[dreg:$0x3] =	wrdreg s17  }
0xf: {  	s15 =	sadd.s32 $0x61800, s6;
	s3 =	sadd.s32 s3, s8;
	[dreg:$0x6] =	wrdreg s19  }
0x10: {  	s18 =	sadd.s32 $0x54800, s6;
	s21 =	sor.u32 $0x3A800, s6;
	[dreg:$0x8] =	wrdreg s22  }
0x11: {  	s24 =	sor.u32 $0x2D800, s6;
	s26 =	sor.u32 $0x20800, s6;
	s6 =	sor.u32 $0x13800, s6  }
0x12: {  	s4 =	smax.u32 s4, $0x1;
	s12 =	simm.s32 $0x400;
	[dreg:$0xf] =	wrdreg s10  }
0x13: {  	s17 =	simm.s32 $0x1000;
	s22 =	simm.s32 $0xDC00;
	[dreg:$0x10] =	wrdreg s13  }
0x14: {  	s8 =	simm.s32 $0x7;
	[dreg:$0x11] =	wrdreg s14;
	s7 =	sshrl.u32 s15, $0x3  }
0x15: {  	[dreg:$0x5] =	wrdreg s3;
	s25 =	sshrl.u32 s24, $0x3;
	s6 =	sshrl.u32 s6, $0x3  }
0x16: {  	[dreg:$0x12] =	wrdreg s4;
	s4 =	simm.s32 $0x0;
	s7 =	sadd.s32 s7, s0  }
0x17: {  	s3 =	sadd.s32 s25, s0;
	s25 =	simm.s32 $0x14080;
	[dreg:$0x4] =	wrdreg s7  }
0x18: {  	s7 =	sshrl.u32 s18, $0x3;
	[dreg:$0xa] =	wrdreg s3;
	s18 =	simm.s32 $0x9  }
0x19: {  	s3 =	simm.s32 $0x5;
	s20 =	sadd.s32 s7, s0;
	s7 =	sshrl.u32 s21, $0x3  }
0x1a: {  	[dreg:$0x7] =	wrdreg s20;
	s23 =	sadd.s32 s7, s0;
	s7 =	sshrl.u32 s26, $0x3  }
0x1b: {  	s20 =	simm.s32 $0x7480;
	[dreg:$0x9] =	wrdreg s23;
	s29 =	sadd.s32 s7, s0  }
0x1c: {  	s26 =	simm.s32 $0xB;
	s0 =	sadd.s32 s6, s0;
	[dreg:$0xb] =	wrdreg s29  }
0x1d: {  	s23 =	simm.s32 $0xA;
	s7 =	simm.s32 $0x6;
	[dreg:$0xc] =	wrdreg s0  }
.LBB2_1:
0x1e: {  	[dreg:$0x13] =	wrdreg s4  }
0x1f: {  	s0 =	rddreg [dreg:$0xe]  }
0x20: {  	[tilespmem:s2], [sflag:$0x1] =	stream.strided.gather [hbm4b:s0+s11], $0x200, s12, s11, $0x38;
	[tilespmem:$0x1A800] =	vst v63  }
0x21: {  	s14 =	rddreg [dreg:$0xf];
	s13 =	simm.s32 $0x200;
	p0 =	por $0x1, $0x1  }
0x22: {  	[tilespmem:s13], [sflag:$0x2] =	stream.strided.gather [hbm4b:s14+s11], $0x200, s12, s11, $0x38;
	[tilespmem:$0x1A800] =	vst v63  }
0x23: {  	s15 =	rddreg [dreg:$0x10];
	p0 =	por p0, p0  }
0x24: {  	[tilespmem:s12], [sflag:$0x3] =	stream.strided.gather [hbm4b:s15+s11], $0x200, s12, s11, $0x38;
	[tilespmem:$0x1A800] =	vst v63  }
0x25: {  	s19 =	rddreg [dreg:$0x11];
	s4 =	simm.s32 @!p0 $0xB;
	s14 =	simm.s32 $0x600  }
0x26: {  	[tilespmem:s14], [sflag:$0x4] =	stream.strided.gather [hbm4b:s19+s11], $0x200, s12, s11, $0x38;
	[tilespmem:$0x1A800] =	vst v63  }
0x27: {  	_ =	swait.ge @!p0 [sflag:s4], $0x6480  }
0x28: {  	[sflag:s4] =	ssyncset.done @!p0 $0x0  }
0x29: {  	[sflag:s4] =	ssyncadd.s32 @!p0 $0xFFFF9B80  }
0x2a: {  	_ =	swait.ge @!p0 [sflag:s4], $0x6480  }
0x2b: {  	[sflag:s4] =	ssyncset.done @!p0 $0x0  }
0x2c: {  	s21 =	simm.s32 $0x1;
	[sflag:s4] =	ssyncadd.s32 @!p0 $0xFFFF9B80  }
0x2d: {  	_ =	swait.ge [sflag:s21], $0x200  }
0x2e: {  	[sflag:s21] =	ssyncset.done $0x0  }
0x2f: {  	[sflag:s21] =	ssyncadd.s32 $0xFFFFFE00  }
0x30: {  	[tilespmem:s17], [sflag:$0x9] =	stream.indirect.gather [hbm4b:s1+s16], $0x80, s2, s16, $0xb8;
	[tilespmem:$0x1A800] =	vst v63  }
0x31: {  	_ =	swait.ge [sflag:s18], $0xC900  }
0x32: {  	s6 =	sadd.s32 $0x40, s0;
	[sflag:s18] =	ssyncset.done $0x0  }
0x33: {  	s15 =	simm.s32 $0x800;
	s24 =	rddreg [dreg:$0x5];
	[sflag:s18] =	ssyncadd.s32 $0xFFFF3700  }
0x34: {  	[tilespmem:s15], [sflag:$0x5] =	stream.strided.gather [hbm4b:s6+s11], $0x200, s12, s11, $0x38;
	[tilespmem:$0x1A800] =	vst v63  }
0x35: {  	s4 =	sadd.s32 $0x0, s24  }
0x36: {  	[hbm4b:s4+s2] =	stream.linear.scatter [tilespmem:s17], [sflag:$0xB], $0x6480, $0x38;
	[tilespmem:$0x1A800] =	vst v63  }
0x37: {  	s10 =	simm.s32 @!p0 $0xC;
	s29 =	sadd.s32 $0xD00, s4  }
0x38: {  	[hbm4b:s29+s2] =	stream.linear.scatter [tilespmem:s20], [sflag:$0xB], $0x6480, $0x38;
	[tilespmem:$0x1A800] =	vst v63  }
0x39: {  	_ =	swait.ge @!p0 [sflag:s10], $0x6480  }
0x3a: {  	[sflag:s10] =	ssyncset.done @!p0 $0x0  }
0x3b: {  	[sflag:s10] =	ssyncadd.s32 @!p0 $0xFFFF9B80  }
0x3c: {  	_ =	swait.ge @!p0 [sflag:s10], $0x6480  }
0x3d: {  	[sflag:s10] =	ssyncset.done @!p0 $0x0  }
0x3e: {  	[sflag:s10] =	ssyncadd.s32 @!p0 $0xFFFF9B80;
	s10 =	simm.s32 $0x2  }
0x3f: {  	_ =	swait.ge [sflag:s10], $0x200  }
0x40: {  	[sflag:s10] =	ssyncset.done $0x0  }
0x41: {  	[sflag:s10] =	ssyncadd.s32 $0xFFFFFE00  }
0x42: {  	[tilespmem:s22], [sflag:$0xA] =	stream.indirect.gather [hbm4b:s1+s16], $0x80, s13, s16, $0xb8;
	[tilespmem:$0x1A800] =	vst v63  }
0x43: {  	_ =	swait.ge [sflag:s23], $0xC900  }
0x44: {  	[sflag:s23] =	ssyncset.done $0x0  }
0x45: {  	s19 =	simm.s32 $0xA00;
	s13 =	sadd.s32 $0x50, s0;
	[sflag:s23] =	ssyncadd.s32 $0xFFFF3700  }
0x46: {  	[tilespmem:s19], [sflag:$0x6] =	stream.strided.gather [hbm4b:s13+s11], $0x200, s12, s11, $0x38;
	[tilespmem:$0x1A800] =	vst v63  }
0x47: {  	s24 =	sadd.s32 $0x1A00, s4;
	s21 =	rddreg [dreg:$0xc]  }
0x48: {  	[hbm4b:s24+s2] =	stream.linear.scatter [tilespmem:s22], [sflag:$0xC], $0x6480, $0x38;
	[tilespmem:$0x1A800] =	vst v63  }
0x49: {  	s29 =	sadd.s32 $0x0, s21  }
0x4a: {  	[hbm4b:s29+s2] =	stream.linear.scatter [tilespmem:s25], [sflag:$0xC], $0x6480, $0x38;
	[tilespmem:$0x1A800] =	vst v63  }
0x4b: {  	_ =	swait.ge [sflag:s26], $0x6480  }
0x4c: {  	[sflag:s26] =	ssyncset.done $0x0  }
0x4d: {  	[sflag:s26] =	ssyncadd.s32 $0xFFFF9B80  }
0x4e: {  	_ =	swait.ge [sflag:s26], $0x6480  }
0x4f: {  	[sflag:s26] =	ssyncset.done $0x0  }
0x50: {  	s10 =	simm.s32 $0x3;
	[sflag:s26] =	ssyncadd.s32 $0xFFFF9B80  }
0x51: {  	_ =	swait.ge [sflag:s10], $0x200  }
0x52: {  	[sflag:s10] =	ssyncset.done $0x0  }
0x53: {  	[sflag:s10] =	ssyncadd.s32 $0xFFFFFE00  }
0x54: {  	[tilespmem:s17], [sflag:$0x9] =	stream.indirect.gather [hbm4b:s1+s16], $0x80, s12, s16, $0xb8;
	[tilespmem:$0x1A800] =	vst v63  }
0x55: {  	_ =	swait.ge [sflag:s18], $0xC900  }
0x56: {  	[sflag:s18] =	ssyncset.done $0x0  }
0x57: {  	s21 =	simm.s32 $0xC00;
	s13 =	sadd.s32 $0x60, s0;
	[sflag:s18] =	ssyncadd.s32 $0xFFFF3700  }
0x58: {  	[tilespmem:s21], [sflag:$0x7] =	stream.strided.gather [hbm4b:s13+s11], $0x200, s12, s11, $0x38;
	[tilespmem:$0x1A800] =	vst v63  }
0x59: {  	s29 =	sadd.s32 $0x3400, s4;
	s24 =	rddreg [dreg:$0xb]  }
0x5a: {  	[hbm4b:s29+s2] =	stream.linear.scatter [tilespmem:s17], [sflag:$0xB], $0x6480, $0x38;
	[tilespmem:$0x1A800] =	vst v63  }
0x5b: {  	s13 =	sadd.s32 $0x0, s24  }
0x5c: {  	[hbm4b:s13+s2] =	stream.linear.scatter [tilespmem:s20], [sflag:$0xB], $0x6480, $0x38;
	[tilespmem:$0x1A800] =	vst v63  }
0x5d: {  	_ =	swait.ge [sflag:s30], $0x6480  }
0x5e: {  	[sflag:s30] =	ssyncset.done $0x0  }
0x5f: {  	[sflag:s30] =	ssyncadd.s32 $0xFFFF9B80  }
0x60: {  	_ =	swait.ge [sflag:s30], $0x6480  }
0x61: {  	[sflag:s30] =	ssyncset.done $0x0  }
0x62: {  	s24 =	simm.s32 $0x4;
	[sflag:s30] =	ssyncadd.s32 $0xFFFF9B80  }
0x63: {  	_ =	swait.ge [sflag:s24], $0x200  }
0x64: {  	[sflag:s24] =	ssyncset.done $0x0  }
0x65: {  	[sflag:s24] =	ssyncadd.s32 $0xFFFFFE00  }
0x66: {  	[tilespmem:s22], [sflag:$0xA] =	stream.indirect.gather [hbm4b:s1+s16], $0x80, s14, s16, $0xb8;
	[tilespmem:$0x1A800] =	vst v63  }
0x67: {  	_ =	swait.ge [sflag:s23], $0xC900  }
0x68: {  	[sflag:s23] =	ssyncset.done $0x0  }
0x69: {  	s29 =	sadd.s32 $0x70, s0;
	s24 =	simm.s32 $0xE00;
	[sflag:s23] =	ssyncadd.s32 $0xFFFF3700  }
0x6a: {  	[tilespmem:s24], [sflag:$0x8] =	stream.strided.gather [hbm4b:s29+s11], $0x200, s12, s11, $0x38;
	[tilespmem:$0x1A800] =	vst v63  }
0x6b: {  	s13 =	sadd.s32 $0x4E00, s4;
	s0 =	rddreg [dreg:$0xa]  }
0x6c: {  	[hbm4b:s13+s2] =	stream.linear.scatter [tilespmem:s22], [sflag:$0xC], $0x6480, $0x38;
	[tilespmem:$0x1A800] =	vst v63  }
0x6d: {  	s14 =	sadd.s32 $0x0, s0  }
0x6e: {  	[hbm4b:s14+s2] =	stream.linear.scatter [tilespmem:s25], [sflag:$0xC], $0x6480, $0x38;
	[tilespmem:$0x1A800] =	vst v63  }
0x6f: {  	_ =	swait.ge [sflag:s26], $0x6480  }
0x70: {  	[sflag:s26] =	ssyncset.done $0x0  }
0x71: {  	[sflag:s26] =	ssyncadd.s32 $0xFFFF9B80  }
0x72: {  	_ =	swait.ge [sflag:s26], $0x6480  }
0x73: {  	[sflag:s26] =	ssyncset.done $0x0  }
0x74: {  	[sflag:s26] =	ssyncadd.s32 $0xFFFF9B80  }
0x75: {  	_ =	swait.ge [sflag:s3], $0x200  }
0x76: {  	[sflag:s3] =	ssyncset.done $0x0  }
0x77: {  	[sflag:s3] =	ssyncadd.s32 $0xFFFFFE00  }
0x78: {  	[tilespmem:s17], [sflag:$0x9] =	stream.indirect.gather [hbm4b:s1+s16], $0x80, s15, s16, $0xb8;
	[tilespmem:$0x1A800] =	vst v63  }
0x79: {  	p0 =	por $0x0, $0x0;
	_ =	swait.ge [sflag:s18], $0xC900  }
0x7a: {  	s10 =	simm.s32 @!p0 $0x400;
	s0 =	rddreg [dreg:$0xd]  }
0x7b: {  	s13 =	simm.s32 @!p0 $0x0;
	[sflag:s18] =	ssyncset.done $0x0;
	s6 =	sadd.s32 @!p0 s0, s5  }
0x7c: {  	[sflag:s18] =	ssyncadd.s32 $0xFFFF3700;
	s14 =	sadd.s32 @!p0 $0x200, s6;
	s6 =	simm.s32 @!p0 $0x80  }
0x7d: {  	[tilespmem:s13], [sflag:$0x1] =	stream.strided.gather @!p0 [hbm4b:s14+s6], $0x200, s10, s6, $0x38;
	[tilespmem:$0x1A800] =	vst v63  }
0x7e: {  	s15 =	sadd.s32 $0x6800, s4;
	s29 =	rddreg [dreg:$0x9]  }
0x7f: {  	[hbm4b:s15+s2] =	stream.linear.scatter [tilespmem:s17], [sflag:$0xB], $0x6480, $0x38;
	[tilespmem:$0x1A800] =	vst v63  }
0x80: {  	s13 =	sadd.s32 $0x0, s29  }
0x81: {  	[hbm4b:s13+s2] =	stream.linear.scatter [tilespmem:s20], [sflag:$0xB], $0x6480, $0x38;
	[tilespmem:$0x1A800] =	vst v63  }
0x82: {  	_ =	swait.ge [sflag:s30], $0x6480  }
0x83: {  	[sflag:s30] =	ssyncset.done $0x0  }
0x84: {  	[sflag:s30] =	ssyncadd.s32 $0xFFFF9B80  }
0x85: {  	_ =	swait.ge [sflag:s30], $0x6480  }
0x86: {  	[sflag:s30] =	ssyncset.done $0x0  }
0x87: {  	[sflag:s30] =	ssyncadd.s32 $0xFFFF9B80  }
0x88: {  	_ =	swait.ge [sflag:s7], $0x200  }
0x89: {  	[sflag:s7] =	ssyncset.done $0x0  }
0x8a: {  	[sflag:s7] =	ssyncadd.s32 $0xFFFFFE00  }
0x8b: {  	[tilespmem:s22], [sflag:$0xA] =	stream.indirect.gather [hbm4b:s1+s16], $0x80, s19, s16, $0xb8;
	[tilespmem:$0x1A800] =	vst v63  }
0x8c: {  	_ =	swait.ge [sflag:s23], $0xC900  }
0x8d: {  	s13 =	rddreg [dreg:$0x8];
	[sflag:s23] =	ssyncset.done $0x0  }
0x8e: {  	s14 =	simm.s32 @!p0 $0x200;
	[sflag:s23] =	ssyncadd.s32 $0xFFFF3700;
	s13 =	sadd.s32 @!p0 s0, s13  }
0x8f: {  	[tilespmem:s14], [sflag:$0x2] =	stream.strided.gather @!p0 [hbm4b:s13+s6], $0x200, s10, s6, $0x38;
	[tilespmem:$0x1A800] =	vst v63  }
0x90: {  	s29 =	sadd.s32 $0x8200, s4  }
0x91: {  	[hbm4b:s29+s2] =	stream.linear.scatter [tilespmem:s22], [sflag:$0xC], $0x6480, $0x38;
	[tilespmem:$0x1A800] =	vst v63  }
0x92: {  	s14 =	sadd.s32 $0x8F00, s4  }
0x93: {  	[hbm4b:s14+s2] =	stream.linear.scatter [tilespmem:s25], [sflag:$0xC], $0x6480, $0x38;
	[tilespmem:$0x1A800] =	vst v63  }
0x94: {  	_ =	swait.ge [sflag:s26], $0x6480  }
0x95: {  	[sflag:s26] =	ssyncset.done $0x0  }
0x96: {  	[sflag:s26] =	ssyncadd.s32 $0xFFFF9B80  }
0x97: {  	_ =	swait.ge [sflag:s26], $0x6480  }
0x98: {  	[sflag:s26] =	ssyncset.done $0x0  }
0x99: {  	[sflag:s26] =	ssyncadd.s32 $0xFFFF9B80  }
0x9a: {  	_ =	swait.ge [sflag:s8], $0x200  }
0x9b: {  	[sflag:s8] =	ssyncset.done $0x0  }
0x9c: {  	[sflag:s8] =	ssyncadd.s32 $0xFFFFFE00  }
0x9d: {  	[tilespmem:s17], [sflag:$0x9] =	stream.indirect.gather [hbm4b:s1+s16], $0x80, s21, s16, $0xb8;
	[tilespmem:$0x1A800] =	vst v63  }
0x9e: {  	_ =	swait.ge [sflag:s18], $0xC900  }
0x9f: {  	s13 =	rddreg [dreg:$0x6];
	[sflag:s18] =	ssyncset.done $0x0  }
0xa0: {  	[sflag:s18] =	ssyncadd.s32 $0xFFFF3700;
	s13 =	sadd.s32 @!p0 s0, s13  }
0xa1: {  	[tilespmem:s10], [sflag:$0x3] =	stream.strided.gather @!p0 [hbm4b:s13+s6], $0x200, s10, s6, $0x38;
	[tilespmem:$0x1A800] =	vst v63  }
0xa2: {  	s19 =	sadd.s32 $0x9C00, s4;
	s15 =	rddreg [dreg:$0x7]  }
0xa3: {  	[hbm4b:s19+s2] =	stream.linear.scatter [tilespmem:s17], [sflag:$0xB], $0x6480, $0x38;
	[tilespmem:$0x1A800] =	vst v63  }
0xa4: {  	s21 =	sadd.s32 $0x0, s15  }
0xa5: {  	[hbm4b:s21+s2] =	stream.linear.scatter [tilespmem:s20], [sflag:$0xB], $0x6480, $0x38;
	[tilespmem:$0x1A800] =	vst v63  }
0xa6: {  	_ =	swait.ge [sflag:s30], $0x6480  }
0xa7: {  	[sflag:s30] =	ssyncset.done $0x0  }
0xa8: {  	[sflag:s30] =	ssyncadd.s32 $0xFFFF9B80  }
0xa9: {  	_ =	swait.ge [sflag:s30], $0x6480  }
0xaa: {  	[sflag:s30] =	ssyncset.done $0x0  }
0xab: {  	[sflag:s30] =	ssyncadd.s32 $0xFFFF9B80  }
0xac: {  	_ =	swait.ge [sflag:s9], $0x200  }
0xad: {  	[sflag:s9] =	ssyncset.done $0x0  }
0xae: {  	[sflag:s9] =	ssyncadd.s32 $0xFFFFFE00  }
0xaf: {  	[tilespmem:s22], [sflag:$0xA] =	stream.indirect.gather [hbm4b:s1+s16], $0x80, s24, s16, $0xb8;
	[tilespmem:$0x1A800] =	vst v63  }
0xb0: {  	p6 =	por $0x0, $0x0;
	_ =	swait.ge [sflag:s23], $0xC900  }
0xb1: {  	s4 =	sadd.s32 $0xB600, s4;
	s13 =	rddreg [dreg:$0x3];
	[sflag:s23] =	ssyncset.done $0x0  }
0xb2: {  	s14 =	simm.s32 @!p0 $0x600;
	[sflag:s23] =	ssyncadd.s32 $0xFFFF3700;
	s13 =	sadd.s32 @!p0 s0, s13  }
0xb3: {  	[tilespmem:s14], [sflag:$0x4] =	stream.strided.gather @!p0 [hbm4b:s13+s6], $0x200, s10, s6, $0x38;
	[tilespmem:$0x1A800] =	vst v63  }
0xb4: {  	s29 =	rddreg [dreg:$0x4];
	s10 =	simm.s32 $0x1A000;
	p0 =	por p6, p6  }
0xb5: {  	[hbm4b:s4+s2] =	stream.linear.scatter [tilespmem:s22], [sflag:$0xC], $0x6480, $0x38;
	[tilespmem:$0x1A800] =	vst v63  }
0xb6: {  	s14 =	sadd.s32 $0x0, s29;
	s6 =	sadd.s32 $0x200, s0;
	s4 =	simm.s32 $0xD000  }
.LBB2_2:
0xb7: {  	s19 =	simm.s32 @!p0 $0xB  }
0xb8: {  	[hbm4b:s14+s2] =	stream.linear.scatter [tilespmem:s25], [sflag:$0xC], $0x6480, $0x38;
	[tilespmem:$0x1A800] =	vst v63  }
0xb9: {  	_ =	swait.ge @!p0 [sflag:s19], $0x6480  }
0xba: {  	[sflag:s19] =	ssyncset.done @!p0 $0x0  }
0xbb: {  	[sflag:s19] =	ssyncadd.s32 @!p0 $0xFFFF9B80  }
0xbc: {  	_ =	swait.ge @!p0 [sflag:s19], $0x6480  }
0xbd: {  	[sflag:s19] =	ssyncset.done @!p0 $0x0  }
0xbe: {  	s0 =	simm.s32 $0x1;
	[sflag:s19] =	ssyncadd.s32 @!p0 $0xFFFF9B80  }
0xbf: {  	_ =	swait.ge [sflag:s0], $0x200  }
0xc0: {  	[sflag:s0] =	ssyncset.done $0x0  }
0xc1: {  	[sflag:s0] =	ssyncadd.s32 $0xFFFFFE00  }
0xc2: {  	[tilespmem:s17], [sflag:$0x9] =	stream.indirect.gather [hbm4b:s1+s16], $0x80, s2, s16, $0xb8;
	[tilespmem:$0x1A800] =	vst v63  }
0xc3: {  	s13 =	smov.u32 s4;
	_ =	swait.ge [sflag:s18], $0xC900  }
0xc4: {  	s15 =	simm.s32 $0x800;
	s19 =	sadd.s32 s6, s5;
	[sflag:s18] =	ssyncset.done $0x0  }
0xc5: {  	s24 =	sadd.s32 $0x40, s19;
	s0 =	rddreg [dreg:$0x5];
	[sflag:s18] =	ssyncadd.s32 $0xFFFF3700  }
0xc6: {  	[tilespmem:s15], [sflag:$0x5] =	stream.strided.gather [hbm4b:s24+s11], $0x200, s12, s11, $0x38;
	[tilespmem:$0x1A800] =	vst v63  }
0xc7: {  	s14 =	sadd.s32 s13, s0  }
0xc8: {  	[hbm4b:s14+s2] =	stream.linear.scatter [tilespmem:s17], [sflag:$0xB], $0x6480, $0x38;
	[tilespmem:$0x1A800] =	vst v63  }
0xc9: {  	s29 =	simm.s32 @!p0 $0xC;
	s21 =	sadd.s32 $0xD00, s14  }
0xca: {  	[hbm4b:s21+s2] =	stream.linear.scatter [tilespmem:s20], [sflag:$0xB], $0x6480, $0x38;
	[tilespmem:$0x1A800] =	vst v63  }
0xcb: {  	_ =	swait.ge @!p0 [sflag:s29], $0x6480  }
0xcc: {  	[sflag:s29] =	ssyncset.done @!p0 $0x0  }
0xcd: {  	[sflag:s29] =	ssyncadd.s32 @!p0 $0xFFFF9B80  }
0xce: {  	_ =	swait.ge @!p0 [sflag:s29], $0x6480  }
0xcf: {  	[sflag:s29] =	ssyncset.done @!p0 $0x0  }
0xd0: {  	s24 =	simm.s32 $0x2;
	[sflag:s29] =	ssyncadd.s32 @!p0 $0xFFFF9B80  }
0xd1: {  	_ =	swait.ge [sflag:s24], $0x200  }
0xd2: {  	[sflag:s24] =	ssyncset.done $0x0  }
0xd3: {  	s29 =	simm.s32 $0x200;
	[sflag:s24] =	ssyncadd.s32 $0xFFFFFE00  }
0xd4: {  	[tilespmem:s22], [sflag:$0xA] =	stream.indirect.gather [hbm4b:s1+s16], $0x80, s29, s16, $0xb8;
	[tilespmem:$0x1A800] =	vst v63  }
0xd5: {  	_ =	swait.ge [sflag:s23], $0xC900  }
0xd6: {  	[sflag:s23] =	ssyncset.done $0x0  }
0xd7: {  	s0 =	sadd.s32 $0x50, s19;
	s21 =	simm.s32 $0xA00;
	[sflag:s23] =	ssyncadd.s32 $0xFFFF3700  }
0xd8: {  	[tilespmem:s21], [sflag:$0x6] =	stream.strided.gather [hbm4b:s0+s11], $0x200, s12, s11, $0x38;
	[tilespmem:$0x1A800] =	vst v63  }
0xd9: {  	s29 =	rddreg [dreg:$0xc];
	s0 =	sadd.s32 $0x1A00, s14  }
0xda: {  	[hbm4b:s0+s2] =	stream.linear.scatter [tilespmem:s22], [sflag:$0xC], $0x6480, $0x38;
	[tilespmem:$0x1A800] =	vst v63  }
0xdb: {  	s0 =	sadd.s32 s13, s29  }
0xdc: {  	[hbm4b:s0+s2] =	stream.linear.scatter [tilespmem:s25], [sflag:$0xC], $0x6480, $0x38;
	[tilespmem:$0x1A800] =	vst v63  }
0xdd: {  	_ =	swait.ge [sflag:s26], $0x6480  }
0xde: {  	[sflag:s26] =	ssyncset.done $0x0  }
0xdf: {  	[sflag:s26] =	ssyncadd.s32 $0xFFFF9B80  }
0xe0: {  	_ =	swait.ge [sflag:s26], $0x6480  }
0xe1: {  	[sflag:s26] =	ssyncset.done $0x0  }
0xe2: {  	s29 =	simm.s32 $0x3;
	[sflag:s26] =	ssyncadd.s32 $0xFFFF9B80  }
0xe3: {  	_ =	swait.ge [sflag:s29], $0x200  }
0xe4: {  	[sflag:s29] =	ssyncset.done $0x0  }
0xe5: {  	[sflag:s29] =	ssyncadd.s32 $0xFFFFFE00  }
0xe6: {  	[tilespmem:s17], [sflag:$0x9] =	stream.indirect.gather [hbm4b:s1+s16], $0x80, s12, s16, $0xb8;
	[tilespmem:$0x1A800] =	vst v63  }
0xe7: {  	_ =	swait.ge [sflag:s18], $0xC900  }
0xe8: {  	[sflag:s18] =	ssyncset.done $0x0  }
0xe9: {  	s0 =	sadd.s32 $0x60, s19;
	[sflag:s18] =	ssyncadd.s32 $0xFFFF3700  }
0xea: {  	[tilespmem:s28], [sflag:$0x7] =	stream.strided.gather [hbm4b:s0+s11], $0x200, s12, s11, $0x38;
	[tilespmem:$0x1A800] =	vst v63  }
0xeb: {  	s29 =	rddreg [dreg:$0xb];
	s0 =	sadd.s32 $0x3400, s14  }
0xec: {  	[hbm4b:s0+s2] =	stream.linear.scatter [tilespmem:s17], [sflag:$0xB], $0x6480, $0x38;
	[tilespmem:$0x1A800] =	vst v63  }
0xed: {  	s0 =	sadd.s32 s13, s29  }
0xee: {  	[hbm4b:s0+s2] =	stream.linear.scatter [tilespmem:s20], [sflag:$0xB], $0x6480, $0x38;
	[tilespmem:$0x1A800] =	vst v63  }
0xef: {  	_ =	swait.ge [sflag:s30], $0x6480  }
0xf0: {  	[sflag:s30] =	ssyncset.done $0x0  }
0xf1: {  	[sflag:s30] =	ssyncadd.s32 $0xFFFF9B80  }
0xf2: {  	_ =	swait.ge [sflag:s30], $0x6480  }
0xf3: {  	[sflag:s30] =	ssyncset.done $0x0  }
0xf4: {  	s29 =	simm.s32 $0x4;
	[sflag:s30] =	ssyncadd.s32 $0xFFFF9B80  }
0xf5: {  	_ =	swait.ge [sflag:s29], $0x200  }
0xf6: {  	[sflag:s29] =	ssyncset.done $0x0  }
0xf7: {  	s24 =	simm.s32 $0x600;
	[sflag:s29] =	ssyncadd.s32 $0xFFFFFE00  }
0xf8: {  	[tilespmem:s22], [sflag:$0xA] =	stream.indirect.gather [hbm4b:s1+s16], $0x80, s24, s16, $0xb8;
	[tilespmem:$0x1A800] =	vst v63  }
0xf9: {  	_ =	swait.ge [sflag:s23], $0xC900  }
0xfa: {  	[sflag:s23] =	ssyncset.done $0x0  }
0xfb: {  	s19 =	sadd.s32 $0x70, s19;
	[sflag:s23] =	ssyncadd.s32 $0xFFFF3700  }
0xfc: {  	[tilespmem:s31], [sflag:$0x8] =	stream.strided.gather [hbm4b:s19+s11], $0x200, s12, s11, $0x38;
	[tilespmem:$0x1A800] =	vst v63  }
0xfd: {  	s0 =	sadd.s32 $0x4E00, s14;
	s29 =	rddreg [dreg:$0xa]  }
0xfe: {  	[hbm4b:s0+s2] =	stream.linear.scatter [tilespmem:s22], [sflag:$0xC], $0x6480, $0x38;
	[tilespmem:$0x1A800] =	vst v63  }
0xff: {  	s24 =	sadd.s32 s13, s29  }
0x100: {  	[hbm4b:s24+s2] =	stream.linear.scatter [tilespmem:s25], [sflag:$0xC], $0x6480, $0x38;
	[tilespmem:$0x1A800] =	vst v63  }
0x101: {  	_ =	swait.ge [sflag:s26], $0x6480  }
0x102: {  	[sflag:s26] =	ssyncset.done $0x0  }
0x103: {  	[sflag:s26] =	ssyncadd.s32 $0xFFFF9B80  }
0x104: {  	_ =	swait.ge [sflag:s26], $0x6480  }
0x105: {  	[sflag:s26] =	ssyncset.done $0x0  }
0x106: {  	[sflag:s26] =	ssyncadd.s32 $0xFFFF9B80  }
0x107: {  	_ =	swait.ge [sflag:s3], $0x200  }
0x108: {  	p2 =	seq.s32 s10, $0x0;
	[sflag:s3] =	ssyncset.done $0x0  }
0x109: {  	p0 =	por p2, p2;
	p2 =	seq.s32 s13, $0x5B000;
	[sflag:s3] =	ssyncadd.s32 $0xFFFFFE00  }
0x10a: {  	[tilespmem:s17], [sflag:$0x9] =	stream.indirect.gather [hbm4b:s1+s16], $0x80, s15, s16, $0xb8;
	[tilespmem:$0x1A800] =	vst v63  }
0x10b: {  	s19 =	sadd.s32 @!p2 s6, s5;
	_ =	swait.ge [sflag:s18], $0xC900  }
0x10c: {  	s29 =	simm.s32 @!p2 $0x0;
	s0 =	sadd.s32 @!p2 $0x200, s19;
	[sflag:s18] =	ssyncset.done $0x0  }
0x10d: {  	s19 =	simm.s32 @!p2 $0x80;
	s24 =	simm.s32 @!p2 $0x400;
	[sflag:s18] =	ssyncadd.s32 $0xFFFF3700  }
0x10e: {  	[tilespmem:s29], [sflag:$0x1] =	stream.strided.gather @!p2 [hbm4b:s0+s19], $0x200, s24, s19, $0x38;
	[tilespmem:$0x1A800] =	vst v63  }
0x10f: {  	s15 =	rddreg [dreg:$0x9];
	s29 =	sadd.s32 $0x6800, s14  }
0x110: {  	[hbm4b:s29+s2] =	stream.linear.scatter [tilespmem:s17], [sflag:$0xB], $0x6480, $0x38;
	[tilespmem:$0x1A800] =	vst v63  }
0x111: {  	s15 =	sadd.s32 s13, s15  }
0x112: {  	[hbm4b:s15+s2] =	stream.linear.scatter [tilespmem:s20], [sflag:$0xB], $0x6480, $0x38;
	[tilespmem:$0x1A800] =	vst v63  }
0x113: {  	_ =	swait.ge [sflag:s30], $0x6480  }
0x114: {  	[sflag:s30] =	ssyncset.done $0x0  }
0x115: {  	[sflag:s30] =	ssyncadd.s32 $0xFFFF9B80  }
0x116: {  	_ =	swait.ge [sflag:s30], $0x6480  }
0x117: {  	[sflag:s30] =	ssyncset.done $0x0  }
0x118: {  	[sflag:s30] =	ssyncadd.s32 $0xFFFF9B80  }
0x119: {  	_ =	swait.ge [sflag:s7], $0x200  }
0x11a: {  	[sflag:s7] =	ssyncset.done $0x0  }
0x11b: {  	[sflag:s7] =	ssyncadd.s32 $0xFFFFFE00  }
0x11c: {  	[tilespmem:s22], [sflag:$0xA] =	stream.indirect.gather [hbm4b:s1+s16], $0x80, s21, s16, $0xb8;
	[tilespmem:$0x1A800] =	vst v63  }
0x11d: {  	_ =	swait.ge [sflag:s23], $0xC900  }
0x11e: {  	s0 =	rddreg [dreg:$0x8];
	[sflag:s23] =	ssyncset.done $0x0  }
0x11f: {  	s15 =	simm.s32 @!p2 $0x200;
	[sflag:s23] =	ssyncadd.s32 $0xFFFF3700;
	s0 =	sadd.s32 @!p2 s6, s0  }
0x120: {  	[tilespmem:s15], [sflag:$0x2] =	stream.strided.gather @!p2 [hbm4b:s0+s19], $0x200, s24, s19, $0x38;
	[tilespmem:$0x1A800] =	vst v63  }
0x121: {  	s29 =	sadd.s32 $0x8200, s14  }
0x122: {  	[hbm4b:s29+s2] =	stream.linear.scatter [tilespmem:s22], [sflag:$0xC], $0x6480, $0x38;
	[tilespmem:$0x1A800] =	vst v63  }
0x123: {  	s15 =	sadd.s32 $0x8F00, s14  }
0x124: {  	[hbm4b:s15+s2] =	stream.linear.scatter [tilespmem:s25], [sflag:$0xC], $0x6480, $0x38;
	[tilespmem:$0x1A800] =	vst v63  }
0x125: {  	_ =	swait.ge [sflag:s26], $0x6480  }
0x126: {  	[sflag:s26] =	ssyncset.done $0x0  }
0x127: {  	[sflag:s26] =	ssyncadd.s32 $0xFFFF9B80  }
0x128: {  	_ =	swait.ge [sflag:s26], $0x6480  }
0x129: {  	[sflag:s26] =	ssyncset.done $0x0  }
0x12a: {  	[sflag:s26] =	ssyncadd.s32 $0xFFFF9B80  }
0x12b: {  	_ =	swait.ge [sflag:s8], $0x200  }
0x12c: {  	[sflag:s8] =	ssyncset.done $0x0  }
0x12d: {  	[sflag:s8] =	ssyncadd.s32 $0xFFFFFE00  }
0x12e: {  	[tilespmem:s17], [sflag:$0x9] =	stream.indirect.gather [hbm4b:s1+s16], $0x80, s28, s16, $0xb8;
	[tilespmem:$0x1A800] =	vst v63  }
0x12f: {  	_ =	swait.ge [sflag:s18], $0xC900  }
0x130: {  	s0 =	rddreg [dreg:$0x6];
	[sflag:s18] =	ssyncset.done $0x0  }
0x131: {  	[sflag:s18] =	ssyncadd.s32 $0xFFFF3700;
	s0 =	sadd.s32 @!p2 s6, s0  }
0x132: {  	[tilespmem:s24], [sflag:$0x3] =	stream.strided.gather @!p2 [hbm4b:s0+s19], $0x200, s24, s19, $0x38;
	[tilespmem:$0x1A800] =	vst v63  }
0x133: {  	s29 =	sadd.s32 $0x9C00, s14;
	s21 =	rddreg [dreg:$0x7]  }
0x134: {  	[hbm4b:s29+s2] =	stream.linear.scatter [tilespmem:s17], [sflag:$0xB], $0x6480, $0x38;
	[tilespmem:$0x1A800] =	vst v63  }
0x135: {  	s15 =	sadd.s32 s13, s21  }
0x136: {  	[hbm4b:s15+s2] =	stream.linear.scatter [tilespmem:s20], [sflag:$0xB], $0x6480, $0x38;
	[tilespmem:$0x1A800] =	vst v63  }
0x137: {  	_ =	swait.ge [sflag:s30], $0x6480  }
0x138: {  	[sflag:s30] =	ssyncset.done $0x0  }
0x139: {  	[sflag:s30] =	ssyncadd.s32 $0xFFFF9B80  }
0x13a: {  	_ =	swait.ge [sflag:s30], $0x6480  }
0x13b: {  	[sflag:s30] =	ssyncset.done $0x0  }
0x13c: {  	[sflag:s30] =	ssyncadd.s32 $0xFFFF9B80  }
0x13d: {  	_ =	swait.ge [sflag:s9], $0x200  }
0x13e: {  	[sflag:s9] =	ssyncset.done $0x0  }
0x13f: {  	s4 =	smov.u32 s10;
	s10 =	sadd.s32 $0xD000, s10;
	[sflag:s9] =	ssyncadd.s32 $0xFFFFFE00  }
0x140: {  	[tilespmem:s22], [sflag:$0xA] =	stream.indirect.gather [hbm4b:s1+s16], $0x80, s31, s16, $0xb8;
	[tilespmem:$0x1A800] =	vst v63  }
0x141: {  	p1 =	sne.s32 s10, $0x68000;
	s29 =	simm.s32 @!p2 $0x600;
	_ =	swait.ge [sflag:s23], $0xC900  }
.Ltmp0:
0x142: {  	s0 =	rddreg [dreg:$0x3];
	[sflag:s23] =	ssyncset.done $0x0;
	(pc) =	sbr.rel @p1 .LBB2_2-.Ltmp0, $4  }
0x143: {  	s21 =	rddreg [dreg:$0x4];
	[sflag:s23] =	ssyncadd.s32 $0xFFFF3700;
	s0 =	sadd.s32 @!p2 s6, s0  }
0x144: {  	[tilespmem:s29], [sflag:$0x4] =	stream.strided.gather @!p2 [hbm4b:s0+s19], $0x200, s24, s19, $0x38;
	[tilespmem:$0x1A800] =	vst v63  }
0x145: {  	s6 =	sadd.s32 $0x200, s6;
	s29 =	sadd.s32 $0xB600, s14;
	s14 =	sadd.s32 s13, s21  }
0x146: {  	[hbm4b:s29+s2] =	stream.linear.scatter [tilespmem:s22], [sflag:$0xC], $0x6480, $0x38;
	[tilespmem:$0x1A800] =	vst v63  }
0x147: {  	s0 =	simm.s32 @!p0 $0xB  }
0x148: {  	[hbm4b:s14+s2] =	stream.linear.scatter [tilespmem:s25], [sflag:$0xC], $0x6480, $0x38;
	[tilespmem:$0x1A800] =	vst v63  }
0x149: {  	_ =	swait.ge @!p0 [sflag:s0], $0x6480  }
0x14a: {  	[sflag:s0] =	ssyncset.done @!p0 $0x0  }
0x14b: {  	[sflag:s0] =	ssyncadd.s32 @!p0 $0xFFFF9B80  }
0x14c: {  	_ =	swait.ge @!p0 [sflag:s0], $0x6480  }
0x14d: {  	[sflag:s0] =	ssyncset.done @!p0 $0x0  }
0x14e: {  	s13 =	simm.s32 $0x1;
	[sflag:s0] =	ssyncadd.s32 @!p0 $0xFFFF9B80  }
0x14f: {  	_ =	swait.ge [sflag:s13], $0x200  }
0x150: {  	[sflag:s13] =	ssyncset.done $0x0  }
0x151: {  	[sflag:s13] =	ssyncadd.s32 $0xFFFFFE00  }
0x152: {  	[tilespmem:s17], [sflag:$0x9] =	stream.indirect.gather [hbm4b:s1+s16], $0x80, s2, s16, $0xb8;
	[tilespmem:$0x1A800] =	vst v63  }
0x153: {  	_ =	swait.ge [sflag:s18], $0xC900  }
0x154: {  	s15 =	simm.s32 $0x800;
	s13 =	sadd.s32 s6, s5;
	[sflag:s18] =	ssyncset.done $0x0  }
0x155: {  	s10 =	sadd.s32 $0x40, s13;
	s14 =	rddreg [dreg:$0x5];
	[sflag:s18] =	ssyncadd.s32 $0xFFFF3700  }
0x156: {  	[tilespmem:s15], [sflag:$0x5] =	stream.strided.gather [hbm4b:s10+s11], $0x200, s12, s11, $0x38;
	[tilespmem:$0x1A800] =	vst v63  }
0x157: {  	s10 =	sadd.s32 s4, s14  }
0x158: {  	[hbm4b:s10+s2] =	stream.linear.scatter [tilespmem:s17], [sflag:$0xB], $0x6480, $0x38;
	[tilespmem:$0x1A800] =	vst v63  }
0x159: {  	s14 =	simm.s32 @!p0 $0xC;
	s0 =	sadd.s32 $0xD00, s10  }
0x15a: {  	[hbm4b:s0+s2] =	stream.linear.scatter [tilespmem:s20], [sflag:$0xB], $0x6480, $0x38;
	[tilespmem:$0x1A800] =	vst v63  }
0x15b: {  	_ =	swait.ge @!p0 [sflag:s14], $0x6480  }
0x15c: {  	[sflag:s14] =	ssyncset.done @!p0 $0x0  }
0x15d: {  	[sflag:s14] =	ssyncadd.s32 @!p0 $0xFFFF9B80  }
0x15e: {  	_ =	swait.ge @!p0 [sflag:s14], $0x6480  }
0x15f: {  	[sflag:s14] =	ssyncset.done @!p0 $0x0  }
0x160: {  	s19 =	simm.s32 $0x2;
	[sflag:s14] =	ssyncadd.s32 @!p0 $0xFFFF9B80  }
0x161: {  	_ =	swait.ge [sflag:s19], $0x200  }
0x162: {  	[sflag:s19] =	ssyncset.done $0x0  }
0x163: {  	s21 =	simm.s32 $0x200;
	[sflag:s19] =	ssyncadd.s32 $0xFFFFFE00  }
0x164: {  	[tilespmem:s22], [sflag:$0xA] =	stream.indirect.gather [hbm4b:s1+s16], $0x80, s21, s16, $0xb8;
	[tilespmem:$0x1A800] =	vst v63  }
0x165: {  	_ =	swait.ge [sflag:s23], $0xC900  }
0x166: {  	[sflag:s23] =	ssyncset.done $0x0  }
0x167: {  	s24 =	sadd.s32 $0x50, s13;
	s19 =	simm.s32 $0xA00;
	[sflag:s23] =	ssyncadd.s32 $0xFFFF3700  }
0x168: {  	[tilespmem:s19], [sflag:$0x6] =	stream.strided.gather [hbm4b:s24+s11], $0x200, s12, s11, $0x38;
	[tilespmem:$0x1A800] =	vst v63  }
0x169: {  	s21 =	sadd.s32 $0x1A00, s10;
	s29 =	rddreg [dreg:$0xc]  }
0x16a: {  	[hbm4b:s21+s2] =	stream.linear.scatter [tilespmem:s22], [sflag:$0xC], $0x6480, $0x38;
	[tilespmem:$0x1A800] =	vst v63  }
0x16b: {  	s24 =	sadd.s32 s4, s29  }
0x16c: {  	[hbm4b:s24+s2] =	stream.linear.scatter [tilespmem:s25], [sflag:$0xC], $0x6480, $0x38;
	[tilespmem:$0x1A800] =	vst v63  }
0x16d: {  	_ =	swait.ge [sflag:s26], $0x6480  }
0x16e: {  	[sflag:s26] =	ssyncset.done $0x0  }
0x16f: {  	[sflag:s26] =	ssyncadd.s32 $0xFFFF9B80  }
0x170: {  	_ =	swait.ge [sflag:s26], $0x6480  }
0x171: {  	[sflag:s26] =	ssyncset.done $0x0  }
0x172: {  	s29 =	simm.s32 $0x3;
	[sflag:s26] =	ssyncadd.s32 $0xFFFF9B80  }
0x173: {  	_ =	swait.ge [sflag:s29], $0x200  }
0x174: {  	[sflag:s29] =	ssyncset.done $0x0  }
0x175: {  	[sflag:s29] =	ssyncadd.s32 $0xFFFFFE00  }
0x176: {  	[tilespmem:s17], [sflag:$0x9] =	stream.indirect.gather [hbm4b:s1+s16], $0x80, s12, s16, $0xb8;
	[tilespmem:$0x1A800] =	vst v63  }
0x177: {  	_ =	swait.ge [sflag:s18], $0xC900  }
0x178: {  	[sflag:s18] =	ssyncset.done $0x0  }
0x179: {  	s14 =	sadd.s32 $0x60, s13;
	s21 =	simm.s32 $0xC00;
	[sflag:s18] =	ssyncadd.s32 $0xFFFF3700  }
0x17a: {  	[tilespmem:s21], [sflag:$0x7] =	stream.strided.gather [hbm4b:s14+s11], $0x200, s12, s11, $0x38;
	[tilespmem:$0x1A800] =	vst v63  }
0x17b: {  	s29 =	sadd.s32 $0x3400, s10;
	s24 =	rddreg [dreg:$0xb]  }
0x17c: {  	[hbm4b:s29+s2] =	stream.linear.scatter [tilespmem:s17], [sflag:$0xB], $0x6480, $0x38;
	[tilespmem:$0x1A800] =	vst v63  }
0x17d: {  	s14 =	sadd.s32 s4, s24  }
0x17e: {  	[hbm4b:s14+s2] =	stream.linear.scatter [tilespmem:s20], [sflag:$0xB], $0x6480, $0x38;
	[tilespmem:$0x1A800] =	vst v63  }
0x17f: {  	_ =	swait.ge [sflag:s30], $0x6480  }
0x180: {  	[sflag:s30] =	ssyncset.done $0x0  }
0x181: {  	[sflag:s30] =	ssyncadd.s32 $0xFFFF9B80  }
0x182: {  	_ =	swait.ge [sflag:s30], $0x6480  }
0x183: {  	[sflag:s30] =	ssyncset.done $0x0  }
0x184: {  	s24 =	simm.s32 $0x4;
	[sflag:s30] =	ssyncadd.s32 $0xFFFF9B80  }
0x185: {  	_ =	swait.ge [sflag:s24], $0x200  }
0x186: {  	[sflag:s24] =	ssyncset.done $0x0  }
0x187: {  	s29 =	simm.s32 $0x600;
	[sflag:s24] =	ssyncadd.s32 $0xFFFFFE00  }
0x188: {  	[tilespmem:s22], [sflag:$0xA] =	stream.indirect.gather [hbm4b:s1+s16], $0x80, s29, s16, $0xb8;
	[tilespmem:$0x1A800] =	vst v63  }
0x189: {  	_ =	swait.ge [sflag:s23], $0xC900  }
0x18a: {  	[sflag:s23] =	ssyncset.done $0x0  }
0x18b: {  	s13 =	sadd.s32 $0x70, s13;
	s24 =	simm.s32 $0xE00;
	[sflag:s23] =	ssyncadd.s32 $0xFFFF3700  }
0x18c: {  	[tilespmem:s24], [sflag:$0x8] =	stream.strided.gather [hbm4b:s13+s11], $0x200, s12, s11, $0x38;
	[tilespmem:$0x1A800] =	vst v63  }
0x18d: {  	s29 =	sadd.s32 $0x4E00, s10;
	s14 =	rddreg [dreg:$0xa]  }
0x18e: {  	[hbm4b:s29+s2] =	stream.linear.scatter [tilespmem:s22], [sflag:$0xC], $0x6480, $0x38;
	[tilespmem:$0x1A800] =	vst v63  }
0x18f: {  	s14 =	sadd.s32 s4, s14  }
0x190: {  	[hbm4b:s14+s2] =	stream.linear.scatter [tilespmem:s25], [sflag:$0xC], $0x6480, $0x38;
	[tilespmem:$0x1A800] =	vst v63  }
0x191: {  	_ =	swait.ge [sflag:s26], $0x6480  }
0x192: {  	[sflag:s26] =	ssyncset.done $0x0  }
0x193: {  	[sflag:s26] =	ssyncadd.s32 $0xFFFF9B80  }
0x194: {  	_ =	swait.ge [sflag:s26], $0x6480  }
0x195: {  	[sflag:s26] =	ssyncset.done $0x0  }
0x196: {  	[sflag:s26] =	ssyncadd.s32 $0xFFFF9B80  }
0x197: {  	_ =	swait.ge [sflag:s3], $0x200  }
0x198: {  	[sflag:s3] =	ssyncset.done $0x0  }
0x199: {  	p0 =	seq.s32 s4, $0x5B000;
	[sflag:s3] =	ssyncadd.s32 $0xFFFFFE00  }
0x19a: {  	[tilespmem:s17], [sflag:$0x9] =	stream.indirect.gather [hbm4b:s1+s16], $0x80, s15, s16, $0xb8;
	[tilespmem:$0x1A800] =	vst v63  }
0x19b: {  	s0 =	sadd.s32 @!p0 s6, s5;
	_ =	swait.ge [sflag:s18], $0xC900  }
0x19c: {  	s0 =	sadd.s32 @!p0 $0x200, s0;
	s13 =	simm.s32 @!p0 $0x80;
	[sflag:s18] =	ssyncset.done $0x0  }
0x19d: {  	s14 =	simm.s32 @!p0 $0x400;
	s15 =	simm.s32 @!p0 $0x0;
	[sflag:s18] =	ssyncadd.s32 $0xFFFF3700  }
0x19e: {  	[tilespmem:s15], [sflag:$0x1] =	stream.strided.gather @!p0 [hbm4b:s0+s13], $0x200, s14, s13, $0x38;
	[tilespmem:$0x1A800] =	vst v63  }
0x19f: {  	s29 =	sadd.s32 $0x6800, s10;
	s0 =	rddreg [dreg:$0x9]  }
0x1a0: {  	[hbm4b:s29+s2] =	stream.linear.scatter [tilespmem:s17], [sflag:$0xB], $0x6480, $0x38;
	[tilespmem:$0x1A800] =	vst v63  }
0x1a1: {  	s0 =	sadd.s32 s4, s0  }
0x1a2: {  	[hbm4b:s0+s2] =	stream.linear.scatter [tilespmem:s20], [sflag:$0xB], $0x6480, $0x38;
	[tilespmem:$0x1A800] =	vst v63  }
0x1a3: {  	_ =	swait.ge [sflag:s30], $0x6480  }
0x1a4: {  	[sflag:s30] =	ssyncset.done $0x0  }
0x1a5: {  	[sflag:s30] =	ssyncadd.s32 $0xFFFF9B80  }
0x1a6: {  	_ =	swait.ge [sflag:s30], $0x6480  }
0x1a7: {  	[sflag:s30] =	ssyncset.done $0x0  }
0x1a8: {  	[sflag:s30] =	ssyncadd.s32 $0xFFFF9B80  }
0x1a9: {  	_ =	swait.ge [sflag:s7], $0x200  }
0x1aa: {  	[sflag:s7] =	ssyncset.done $0x0  }
0x1ab: {  	[sflag:s7] =	ssyncadd.s32 $0xFFFFFE00  }
0x1ac: {  	[tilespmem:s22], [sflag:$0xA] =	stream.indirect.gather [hbm4b:s1+s16], $0x80, s19, s16, $0xb8;
	[tilespmem:$0x1A800] =	vst v63  }
0x1ad: {  	_ =	swait.ge [sflag:s23], $0xC900  }
0x1ae: {  	s0 =	rddreg [dreg:$0x8];
	[sflag:s23] =	ssyncset.done $0x0  }
0x1af: {  	s15 =	simm.s32 @!p0 $0x200;
	[sflag:s23] =	ssyncadd.s32 $0xFFFF3700;
	s0 =	sadd.s32 @!p0 s6, s0  }
0x1b0: {  	[tilespmem:s15], [sflag:$0x2] =	stream.strided.gather @!p0 [hbm4b:s0+s13], $0x200, s14, s13, $0x38;
	[tilespmem:$0x1A800] =	vst v63  }
0x1b1: {  	s15 =	sadd.s32 $0x8200, s10  }
0x1b2: {  	[hbm4b:s15+s2] =	stream.linear.scatter [tilespmem:s22], [sflag:$0xC], $0x6480, $0x38;
	[tilespmem:$0x1A800] =	vst v63  }
0x1b3: {  	s19 =	sadd.s32 $0x8F00, s10  }
0x1b4: {  	[hbm4b:s19+s2] =	stream.linear.scatter [tilespmem:s25], [sflag:$0xC], $0x6480, $0x38;
	[tilespmem:$0x1A800] =	vst v63  }
0x1b5: {  	_ =	swait.ge [sflag:s26], $0x6480  }
0x1b6: {  	[sflag:s26] =	ssyncset.done $0x0  }
0x1b7: {  	[sflag:s26] =	ssyncadd.s32 $0xFFFF9B80  }
0x1b8: {  	_ =	swait.ge [sflag:s26], $0x6480  }
0x1b9: {  	[sflag:s26] =	ssyncset.done $0x0  }
0x1ba: {  	[sflag:s26] =	ssyncadd.s32 $0xFFFF9B80  }
0x1bb: {  	_ =	swait.ge [sflag:s8], $0x200  }
0x1bc: {  	[sflag:s8] =	ssyncset.done $0x0  }
0x1bd: {  	[sflag:s8] =	ssyncadd.s32 $0xFFFFFE00  }
0x1be: {  	[tilespmem:s17], [sflag:$0x9] =	stream.indirect.gather [hbm4b:s1+s16], $0x80, s21, s16, $0xb8;
	[tilespmem:$0x1A800] =	vst v63  }
0x1bf: {  	_ =	swait.ge [sflag:s18], $0xC900  }
0x1c0: {  	s0 =	rddreg [dreg:$0x6];
	[sflag:s18] =	ssyncset.done $0x0  }
0x1c1: {  	[sflag:s18] =	ssyncadd.s32 $0xFFFF3700;
	s0 =	sadd.s32 @!p0 s6, s0  }
0x1c2: {  	[tilespmem:s14], [sflag:$0x3] =	stream.strided.gather @!p0 [hbm4b:s0+s13], $0x200, s14, s13, $0x38;
	[tilespmem:$0x1A800] =	vst v63  }
0x1c3: {  	s29 =	sadd.s32 $0x9C00, s10;
	s21 =	rddreg [dreg:$0x7]  }
0x1c4: {  	[hbm4b:s29+s2] =	stream.linear.scatter [tilespmem:s17], [sflag:$0xB], $0x6480, $0x38;
	[tilespmem:$0x1A800] =	vst v63  }
0x1c5: {  	s15 =	sadd.s32 s4, s21  }
0x1c6: {  	[hbm4b:s15+s2] =	stream.linear.scatter [tilespmem:s20], [sflag:$0xB], $0x6480, $0x38;
	[tilespmem:$0x1A800] =	vst v63  }
0x1c7: {  	_ =	swait.ge [sflag:s30], $0x6480  }
0x1c8: {  	[sflag:s30] =	ssyncset.done $0x0  }
0x1c9: {  	[sflag:s30] =	ssyncadd.s32 $0xFFFF9B80  }
0x1ca: {  	_ =	swait.ge [sflag:s30], $0x6480  }
0x1cb: {  	[sflag:s30] =	ssyncset.done $0x0  }
0x1cc: {  	[sflag:s30] =	ssyncadd.s32 $0xFFFF9B80  }
0x1cd: {  	_ =	swait.ge [sflag:s9], $0x200  }
0x1ce: {  	[sflag:s9] =	ssyncset.done $0x0  }
0x1cf: {  	[sflag:s9] =	ssyncadd.s32 $0xFFFFFE00  }
0x1d0: {  	[tilespmem:s22], [sflag:$0xA] =	stream.indirect.gather [hbm4b:s1+s16], $0x80, s24, s16, $0xb8;
	[tilespmem:$0x1A800] =	vst v63  }
0x1d1: {  	_ =	swait.ge [sflag:s23], $0xC900  }
0x1d2: {  	s0 =	rddreg [dreg:$0x3];
	[sflag:s23] =	ssyncset.done $0x0  }
0x1d3: {  	[sflag:s23] =	ssyncadd.s32 $0xFFFF3700;
	s0 =	sadd.s32 @!p0 s6, s0;
	s6 =	simm.s32 @!p0 $0x600  }
0x1d4: {  	[tilespmem:s6], [sflag:$0x4] =	stream.strided.gather @!p0 [hbm4b:s0+s13], $0x200, s14, s13, $0x38;
	[tilespmem:$0x1A800] =	vst v63  }
0x1d5: {  	s21 =	sadd.s32 $0xB600, s10;
	s19 =	rddreg [dreg:$0x4]  }
0x1d6: {  	[hbm4b:s21+s2] =	stream.linear.scatter [tilespmem:s22], [sflag:$0xC], $0x6480, $0x38;
	[tilespmem:$0x1A800] =	vst v63  }
0x1d7: {  	s0 =	sadd.s32 s4, s19  }
0x1d8: {  	[hbm4b:s0+s2] =	stream.linear.scatter [tilespmem:s25], [sflag:$0xC], $0x6480, $0x38;
	[tilespmem:$0x1A800] =	vst v63  }
0x1d9: {  	_ =	swait.ge [sflag:s26], $0x6480  }
0x1da: {  	[sflag:s26] =	ssyncset.done $0x0  }
0x1db: {  	[sflag:s26] =	ssyncadd.s32 $0xFFFF9B80  }
0x1dc: {  	_ =	swait.ge [sflag:s26], $0x6480  }
0x1dd: {  	[sflag:s26] =	ssyncset.done $0x0  }
0x1de: {  	[sflag:s26] =	ssyncadd.s32 $0xFFFF9B80  }
0x1df: {  	_ =	swait.ge [sflag:s30], $0x6480  }
0x1e0: {  	[sflag:s30] =	ssyncset.done $0x0  }
0x1e1: {  	[sflag:s30] =	ssyncadd.s32 $0xFFFF9B80  }
0x1e2: {  	_ =	swait.ge [sflag:s30], $0x6480  }
0x1e3: {  	s24 =	rddreg [dreg:$0x13]  }
0x1e4: {  	s29 =	rddreg [dreg:$0x12];
	s4 =	sadd.s32 $0x1, s24  }
0x1e5: {  	p0 =	sne.s32 s4, s29  }
.Ltmp1:
0x1e6: {  	_ = 	snop;
	(pc) =	sbr.rel @p0 .LBB2_1-.Ltmp1, $3  }
0x1e7: {  	_ =	sdelay $0x1  }
0x1e8: {  	[sflag:s30] =	ssyncset.done $0x0  }
0x1e9: {  	[sflag:s30] =	ssyncadd.s32 $0xFFFF9B80  }
0x1ea: {  	_ =	sfence.sel $0x180000  }
0x1eb: {  	[bflag:$0x0] =	sbarrier.arrive $0xFFFF  }
0x1ec: {  	_ =	strace $0x90000047  }
0x1ed: {  	s0 =	stileid.u32;
	[bflag:$0x2] =	sbarrier.arrive $0xFFFF  }
0x1ee: {  	p0 =	sne.s32 s0, $0x0;
	s0 =	rddreg [dreg:$0x2]  }
0x1ef: {  	s0 =	sadd.s32 @!p0 $0x100000, s0  }
0x1f0: {  	[sflag:s0] =	ssyncadd.tile.s32 @!p0 $0x1;
	_ =	shalt  }
.Lfunc_end2:
_tile_overlayer_lowered:
.L_overlay_start_2:
0x1f1: {  	(tag) =	ssettag $0x2  }
0x1f2: {  	s0 =	rddreg [dreg:$0x0];
	s2 =	stileid.u32  }
0x1f3: {  	s1 =	rddreg [dreg:$0x1];
	p0 =	sne.s32 s2, $0x0  }
0x1f4: {  	s3 =	rddreg [dreg:$0x2];
	[bflag:$0x3] =	sbarrier.arrive $0xFFFF;
	s2 =	simm.s32 @!p0 $0x1C0D  }
0x1f5: {  	[timem:s3], [sflag:s2] =	dma.local @!p0 [hbm:s0], s1  }
0x1f6: {  	s0 =	simm.s32 @!p0 $0xD  }
0x1f7: {  	_ =	swait.ge @!p0 [sflag:s0], s1  }
0x1f8: {  	s1 =	ssub.s32 @!p0 $0x0, s1;
	[sflag:s0] =	ssyncset.done @!p0 $0x0  }
0x1f9: {  	[sflag:s0] =	ssyncadd.s32 @!p0 s1  }
0x1fa: {  	[bflag:$0x3] =	sbarrier.arrive $0xFFFF  }
0x1fb: {  	_ =	shalt  }

</sc_bundles>
